<compile_context>
chip_gen: v7x
topology: tpu7x:2x2x1
jax: 0.10.2.dev20260603
libtpu: 0.0.44.dev20260713+nightly
codegen_flags: <defaults>
</compile_context>

<pallas_src>
import functools

import jax
import jax.numpy as jnp
from jax import lax
from jax.experimental import pallas as pl
from jax.experimental.pallas import tpu as pltpu
from jax.experimental.pallas import tpu_sc as plsc

_B = 16
_H = 512
_W = 512
_PW = 514
_PV = _PW * _PW
_NF = _B * _PV
_N = _B * _H * _W
_IDXW = 128
_NR = _N // _IDXW
_NWORK = 32
_CH = 4
_RB = 256


def _coords(dx, dy, r0):
    ii = lax.broadcasted_iota(jnp.int32, dx.shape, 0).astype(jnp.float32)
    jj = lax.broadcasted_iota(jnp.int32, dx.shape, 1).astype(jnp.float32)
    ax = (ii + jnp.float32(r0)) * jnp.float32(2.0 / 511.0) - 1.0
    ay = jj * jnp.float32(2.0 / 511.0) - 1.0
    x = 0.5 * (ax - dx + 1.0) * 511.0
    y = 0.5 * (ay - dy + 1.0) * 511.0
    return x, y


def _idx_body(dx_ref, dy_ref, idx_ref):
    b = pl.program_id(0)
    r0 = pl.program_id(1) * _RB
    x, y = _coords(dx_ref[0], dy_ref[0], r0)
    x0 = jnp.where(x < 0, 512, jnp.minimum(jnp.floor(x).astype(jnp.int32), 512))
    y0 = jnp.where(y < 0, 512, jnp.minimum(jnp.floor(y).astype(jnp.int32), 512))
    idx_ref[0] = b * _PV + x0 * _PW + y0


def _combine_body(dx_ref, dy_ref, g00_ref, g01_ref, g10_ref, g11_ref, out_ref):
    r0 = pl.program_id(1) * _RB
    x, y = _coords(dx_ref[0], dy_ref[0], r0)
    x0 = jnp.clip(jnp.floor(x).astype(jnp.int32), 0, 512)
    y0 = jnp.clip(jnp.floor(y).astype(jnp.int32), 0, 512)
    x1 = jnp.minimum(x0 + 1, 512)
    y1 = jnp.minimum(y0 + 1, 512)
    bx = x1.astype(jnp.float32) - x
    axf = x - x0.astype(jnp.float32)
    by = y1.astype(jnp.float32) - y
    ayf = y - y0.astype(jnp.float32)
    out_ref[0] = (bx * by * g00_ref[0] + bx * ayf * g01_ref[0]
                  + axf * by * g10_ref[0] + axf * ayf * g11_ref[0])


def _row_spec():
    return pl.BlockSpec((1, _RB, _W), lambda b, r: (b, r, 0))


def _compute_indices(dx, dy):
    return pl.pallas_call(
        _idx_body,
        grid=(_B, _H // _RB),
        in_specs=[_row_spec(), _row_spec()],
        out_specs=_row_spec(),
        out_shape=jax.ShapeDtypeStruct((_B, _H, _W), jnp.int32),
    )(dx, dy)


def _combine(dx, dy, g00, g01, g10, g11):
    return pl.pallas_call(
        _combine_body,
        grid=(_B, _H // _RB),
        in_specs=[_row_spec()] * 6,
        out_specs=_row_spec(),
        out_shape=jax.ShapeDtypeStruct((_B, _H, _W), jnp.float32),
    )(dx, dy, g00, g01, g10, g11)


@functools.cache
def _make_sc_gather():
    plane = jax.ShapeDtypeStruct((_NR, _IDXW), jnp.float32)

    @functools.partial(
        pl.kernel,
        out_type=[plane, plane, plane, plane],
        mesh=plsc.VectorSubcoreMesh(core_axis_name="c", subcore_axis_name="s"),
        scratch_types=[
            pltpu.VMEM((_CH, _IDXW), jnp.int32),
            pltpu.VMEM((_CH, _IDXW), jnp.float32),
            pltpu.VMEM((_CH, _IDXW), jnp.float32),
            pltpu.VMEM((_CH, _IDXW), jnp.float32),
            pltpu.VMEM((_CH, _IDXW), jnp.float32),
            pltpu.SemaphoreType.DMA,
        ],
        compiler_params=pltpu.CompilerParams(use_tc_tiling_on_sc=False),
    )
    def _sc_gather(f0, f1, f2, f3, idx_hbm, o0, o1, o2, o3,
                   idx_v, r0, r1, r2, r3, sem):
        wid = lax.axis_index("s") * 2 + lax.axis_index("c")
        rows_per_worker = _NR // _NWORK
        base0 = wid * rows_per_worker
        srcs = (f0, f1, f2, f3)
        dsts = (r0, r1, r2, r3)
        outs = (o0, o1, o2, o3)

        @pl.loop(0, rows_per_worker // _CH)
        def _chunk(ci):
            base = base0 + ci * _CH
            pltpu.sync_copy(idx_hbm.at[pl.ds(base, _CH)], idx_v)
            copies = [
                pltpu.async_copy(srcs[c].at[idx_v.at[k]], dsts[c].at[k], sem)
                for k in range(_CH) for c in range(4)
            ]
            for cp in copies:
                cp.wait()
            for c in range(4):
                pltpu.sync_copy(dsts[c], outs[c].at[pl.ds(base, _CH)])

    return _sc_gather


def _build_shift_tables(img):
    pad = jnp.pad(img, ((0, 0), (0, 2), (0, 2)))
    flat = pad.reshape(_B * _PV)

    def shift(k):
        return jnp.concatenate([flat[k:], jnp.zeros((k,), jnp.float32)])

    return flat, shift(1), shift(_PW), shift(_PW + 1)


def kernel(Img, DispField):
    img = Img.reshape(_B, _H, _W)
    dx = DispField[..., 0]
    dy = DispField[..., 1]
    idx = _compute_indices(dx, dy)
    f0, f1, f2, f3 = _build_shift_tables(img)
    g00, g01, g10, g11 = _make_sc_gather()(f0, f1, f2, f3,
                                           idx.reshape(_NR, _IDXW))
    out = _combine(dx, dy,
                   g00.reshape(_B, _H, _W), g01.reshape(_B, _H, _W),
                   g10.reshape(_B, _H, _W), g11.reshape(_B, _H, _W))
    return out.reshape(_B, _H, _W, 1)

# --- scband reference (transcript-rebuilt; emitter-appended) ---
"""Pipeline reference for scband-apply2-ddisp-field-66838281060467 (READ-ONLY COPY).

The authoritative reference and input builder live on the scoring server;
editing this copy changes nothing except your own understanding.
"""

import jax, jax.numpy as jnp
import numpy as np

BATCH = 16
INPUT_SIZE = (512, 512)
OUTPUT_SIZE = (512, 512)


def setup_inputs(seed: int = 0) -> dict:
    key = jax.random.key(seed)
    k1, k2 = jax.random.split(key)
    Img = jax.random.normal(k1, (BATCH, INPUT_SIZE[0], INPUT_SIZE[1], 1), dtype=jnp.float32)
    DispField = jax.random.normal(k2, (BATCH, OUTPUT_SIZE[0], OUTPUT_SIZE[1], 2), dtype=jnp.float32)
    return {"Img": Img, "DispField": DispField}


def _meshgrid(height, width, displacement):
    b = displacement.shape[0]
    ax = jnp.linspace(-1.0, 1.0, height, dtype=jnp.float32)
    ay = jnp.linspace(-1.0, 1.0, width, dtype=jnp.float32)
    x_t, y_t = jnp.meshgrid(ax, ay, indexing='ij')
    sampling_grid = jnp.stack([x_t.ravel(), y_t.ravel()], axis=0)[None, :, :]
    dx = displacement[:, :, :, 0].reshape(b, -1)
    dy = displacement[:, :, :, 1].reshape(b, -1)
    d_grid = jnp.stack([dx, dy], axis=1)
    batch_grids = sampling_grid - d_grid
    return batch_grids.reshape(b, 2, height, width)


def _get_pixel_value(Img, x, y):
    bidx = jnp.arange(Img.shape[0])[:, None, None]
    return Img[bidx, x, y]


def _interpolate(Img, x_s, y_s):
    # F.pad(Img, (0,0,0,1,0,1)) in torch pads: channel (0,0), W (0,1), H (0,1)
    Img = jnp.pad(Img, ((0, 0), (0, 1), (0, 1), (0, 0)))
    Hp, Wp = Img.shape[1], Img.shape[2]
    max_x, max_y = Hp - 1, Wp - 1
    x = 0.5 * (x_s + 1.0) * (max_x - 1)
    y = 0.5 * (y_s + 1.0) * (max_y - 1)
    x0 = jnp.floor(x).astype(jnp.int32)
    x1 = x0 + 1
    y0 = jnp.floor(y).astype(jnp.int32)
    y1 = y0 + 1
    x0 = jnp.clip(x0, 0, max_x)
    x1 = jnp.clip(x1, 0, max_x)
    y0 = jnp.clip(y0, 0, max_y)
    y1 = jnp.clip(y1, 0, max_y)
    I00 = _get_pixel_value(Img, x0, y0)
    I01 = _get_pixel_value(Img, x0, y1)
    I10 = _get_pixel_value(Img, x1, y0)
    I11 = _get_pixel_value(Img, x1, y1)
    W00 = ((x1 - x) * (y1 - y))[..., None]
    W11 = ((x - x0) * (y - y0))[..., None]
    W01 = ((x1 - x) * (y - y0))[..., None]
    W10 = ((x - x0) * (y1 - y))[..., None]
    return W00 * I00 + W01 * I01 + W10 * I10 + W11 * I11


def reference(Img, DispField):
    height, width = OUTPUT_SIZE
    grid = _meshgrid(height, width, DispField)
    x_s = grid[:, 0, :, :]
    y_s = grid[:, 1, :, :]
    return _interpolate(Img, x_s, y_s)

if __name__ == "__main__":
    import jax
    _d = setup_inputs()
    print(jax.jit(kernel)(*tuple(_d.values())))

</pallas_src>

<mosaic_0001>
#map = affine_map<(d0, d1) -> (0)>
#map1 = affine_map<(d0, d1) -> (0, 0)>
module attributes {stable_mosaic.version = 14 : i64} {
  func.func @_sc_gather(%arg0: i32, %arg1: i32, %arg2: memref<4227136xf32, #tpu.memory_space<hbm>>, %arg3: memref<4227136xf32, #tpu.memory_space<hbm>>, %arg4: memref<4227136xf32, #tpu.memory_space<hbm>>, %arg5: memref<4227136xf32, #tpu.memory_space<hbm>>, %arg6: memref<32768x128xi32, #tpu.memory_space<hbm>>, %arg7: memref<32768x128xf32, #tpu.memory_space<hbm>>, %arg8: memref<32768x128xf32, #tpu.memory_space<hbm>>, %arg9: memref<32768x128xf32, #tpu.memory_space<hbm>>, %arg10: memref<32768x128xf32, #tpu.memory_space<hbm>>, %arg11: memref<4x128xi32, #tpu.memory_space<vmem>>, %arg12: memref<4x128xf32, #tpu.memory_space<vmem>>, %arg13: memref<4x128xf32, #tpu.memory_space<vmem>>, %arg14: memref<4x128xf32, #tpu.memory_space<vmem>>, %arg15: memref<4x128xf32, #tpu.memory_space<vmem>>, %arg16: memref<!tpu.dma_semaphore, #tpu.memory_space<semaphore_mem>>) attributes {dimension_semantics = [#tpu.dimension_semantics<core_parallel>, #tpu.dimension_semantics<subcore_parallel>], iteration_bounds = array<i64: 2, 16>, scalar_prefetch = 0 : i64, scratch_operands = 6 : i64, tpu.core_type = #tpu.core_type<sc_vector_subcore>, window_params = [{transform_indices = #map}, {transform_indices = #map}, {transform_indices = #map}, {transform_indices = #map}, {transform_indices = #map1}, {transform_indices = #map1}, {transform_indices = #map1}, {transform_indices = #map1}, {transform_indices = #map1}]} {
    %mul3A = arith.constant 2 : i32
    %mul3A_0 = arith.muli %arg1, %mul3A : i32
    %add3A = arith.addi %mul3A_0, %arg0 : i32
    %mul3A_1 = arith.constant 1024 : i32
    %mul3A_2 = arith.muli %add3A, %mul3A_1 : i32
    %scan3A = arith.constant 0 : i32
    %scan3A_3 = arith.constant 256 : i32
    %scan3A_4 = arith.addi %scan3A, %scan3A_3 : i32
    %scan3A_5 = arith.constant 1 : i32
    scf.for %scan3A_7 = %scan3A to %scan3A_4 step %scan3A_5  : i32 {
      %mul3A_8 = arith.constant 1 : i32
      %mul3A_9 = arith.muli %scan3A_7, %mul3A_8 : i32
      %add3A_10 = arith.constant 0 : i32
      %add3A_11 = arith.addi %add3A_10, %mul3A_9 : i32
      %mul3A_12 = arith.constant 4 : i32
      %mul3A_13 = arith.muli %add3A_11, %mul3A_12 : i32
      %add3A_14 = arith.addi %mul3A_2, %mul3A_13 : i32
      "tpu.region"() ({
        %run_scoped3A = tpu.sem_alloc : memref<!tpu.dma_semaphore, #tpu.memory_space<semaphore_mem>>
        %dma_start3A_333 = arith.constant 0 : i32
        %dma_start3A_334 = tpu.memref_slice %arg6[%add3A_14, %dma_start3A_333] : memref<32768x128xi32, #tpu.memory_space<hbm>> -> memref<4x128xi32, #tpu.memory_space<hbm>>
        %dma_start3A_335 = arith.constant 0 : i32
        %dma_start3A_336 = tpu.memref_slice %arg6[%add3A_14, %dma_start3A_335] : memref<32768x128xi32, #tpu.memory_space<hbm>> -> memref<4x128xi32, #tpu.memory_space<hbm>>
        tpu.enqueue_dma source(%dma_start3A_336 : memref<4x128xi32, #tpu.memory_space<hbm>>) target(%arg11 : memref<4x128xi32, #tpu.memory_space<vmem>>) target_semaphore(%run_scoped3A : memref<!tpu.dma_semaphore, #tpu.memory_space<semaphore_mem>>)
        %dma_wait3A_337 = arith.constant 0 : i32
        %dma_wait3A_338 = tpu.memref_slice %arg6[%add3A_14, %dma_wait3A_337] : memref<32768x128xi32, #tpu.memory_space<hbm>> -> memref<4x128xi32, #tpu.memory_space<hbm>>
        %dma_wait3A_339 = arith.constant 0 : i32
        %dma_wait3A_340 = tpu.memref_slice %arg6[%add3A_14, %dma_wait3A_339] : memref<32768x128xi32, #tpu.memory_space<hbm>> -> memref<4x128xi32, #tpu.memory_space<hbm>>
        tpu.wait_dma2 semaphore(%run_scoped3A : memref<!tpu.dma_semaphore, #tpu.memory_space<semaphore_mem>>) src(%dma_wait3A_340 : memref<4x128xi32, #tpu.memory_space<hbm>>) dst(%arg11 : memref<4x128xi32, #tpu.memory_space<vmem>>)
        tpu.yield
      }) : () -> ()
      %dma_start3A = arith.constant 0 : i32
      %dma_start3A_15 = arith.constant 0 : i32
      %dma_start3A_16 = arith.constant 0 : i32
      %dma_start3A_17 = tpu.memref_slice %arg12[%dma_start3A_15, %dma_start3A_16] : memref<4x128xf32, #tpu.memory_space<vmem>> -> memref<1x128xf32, #tpu.memory_space<vmem>>
      %dma_start3A_18 = tpu.memref_squeeze %dma_start3A_17 : memref<1x128xf32, #tpu.memory_space<vmem>> -> memref<128xf32, #tpu.memory_space<vmem>>
      %dma_start3A_19 = arith.constant 0 : i32
      %dma_start3A_20 = tpu.memref_slice %arg11[%dma_start3A, %dma_start3A_19] : memref<4x128xi32, #tpu.memory_space<vmem>> -> memref<1x128xi32, #tpu.memory_space<vmem>>
      %dma_start3A_21 = tpu.memref_squeeze %dma_start3A_20 : memref<1x128xi32, #tpu.memory_space<vmem>> -> memref<128xi32, #tpu.memory_space<vmem>>
      %dma_start3A_22 = arith.constant 0 : i32
      %dma_start3A_23 = tpu.memref_slice %arg2[%dma_start3A_22] : memref<4227136xf32, #tpu.memory_space<hbm>> -> memref<4227136xf32, #tpu.memory_space<hbm>>
      tpu.enqueue_indirect_dma source(%dma_start3A_23 : memref<4227136xf32, #tpu.memory_space<hbm>>) target(%dma_start3A_18 : memref<128xf32, #tpu.memory_space<vmem>>) offsets(%dma_start3A_21 : memref<128xi32, #tpu.memory_space<vmem>>) semaphore(%arg16 : memref<!tpu.dma_semaphore, #tpu.memory_space<semaphore_mem>>)
      %dma_start3A_24 = arith.constant 0 : i32
      %dma_start3A_25 = arith.constant 0 : i32
      %dma_start3A_26 = arith.constant 0 : i32
      %dma_start3A_27 = tpu.memref_slice %arg13[%dma_start3A_25, %dma_start3A_26] : memref<4x128xf32, #tpu.memory_space<vmem>> -> memref<1x128xf32, #tpu.memory_space<vmem>>
      %dma_start3A_28 = tpu.memref_squeeze %dma_start3A_27 : memref<1x128xf32, #tpu.memory_space<vmem>> -> memref<128xf32, #tpu.memory_space<vmem>>
      %dma_start3A_29 = arith.constant 0 : i32
      %dma_start3A_30 = tpu.memref_slice %arg11[%dma_start3A_24, %dma_start3A_29] : memref<4x128xi32, #tpu.memory_space<vmem>> -> memref<1x128xi32, #tpu.memory_space<vmem>>
      %dma_start3A_31 = tpu.memref_squeeze %dma_start3A_30 : memref<1x128xi32, #tpu.memory_space<vmem>> -> memref<128xi32, #tpu.memory_space<vmem>>
      %dma_start3A_32 = arith.constant 0 : i32
      %dma_start3A_33 = tpu.memref_slice %arg3[%dma_start3A_32] : memref<4227136xf32, #tpu.memory_space<hbm>> -> memref<4227136xf32, #tpu.memory_space<hbm>>
      tpu.enqueue_indirect_dma source(%dma_start3A_33 : memref<4227136xf32, #tpu.memory_space<hbm>>) target(%dma_start3A_28 : memref<128xf32, #tpu.memory_space<vmem>>) offsets(%dma_start3A_31 : memref<128xi32, #tpu.memory_space<vmem>>) semaphore(%arg16 : memref<!tpu.dma_semaphore, #tpu.memory_space<semaphore_mem>>)
      %dma_start3A_34 = arith.constant 0 : i32
      %dma_start3A_35 = arith.constant 0 : i32
      %dma_start3A_36 = arith.constant 0 : i32
      %dma_start3A_37 = tpu.memref_slice %arg14[%dma_start3A_35, %dma_start3A_36] : memref<4x128xf32, #tpu.memory_space<vmem>> -> memref<1x128xf32, #tpu.memory_space<vmem>>
      %dma_start3A_38 = tpu.memref_squeeze %dma_start3A_37 : memref<1x128xf32, #tpu.memory_space<vmem>> -> memref<128xf32, #tpu.memory_space<vmem>>
      %dma_start3A_39 = arith.constant 0 : i32
      %dma_start3A_40 = tpu.memref_slice %arg11[%dma_start3A_34, %dma_start3A_39] : memref<4x128xi32, #tpu.memory_space<vmem>> -> memref<1x128xi32, #tpu.memory_space<vmem>>
      %dma_start3A_41 = tpu.memref_squeeze %dma_start3A_40 : memref<1x128xi32, #tpu.memory_space<vmem>> -> memref<128xi32, #tpu.memory_space<vmem>>
      %dma_start3A_42 = arith.constant 0 : i32
      %dma_start3A_43 = tpu.memref_slice %arg4[%dma_start3A_42] : memref<4227136xf32, #tpu.memory_space<hbm>> -> memref<4227136xf32, #tpu.memory_space<hbm>>
      tpu.enqueue_indirect_dma source(%dma_start3A_43 : memref<4227136xf32, #tpu.memory_space<hbm>>) target(%dma_start3A_38 : memref<128xf32, #tpu.memory_space<vmem>>) offsets(%dma_start3A_41 : memref<128xi32, #tpu.memory_space<vmem>>) semaphore(%arg16 : memref<!tpu.dma_semaphore, #tpu.memory_space<semaphore_mem>>)
      %dma_start3A_44 = arith.constant 0 : i32
      %dma_start3A_45 = arith.constant 0 : i32
      %dma_start3A_46 = arith.constant 0 : i32
      %dma_start3A_47 = tpu.memref_slice %arg15[%dma_start3A_45, %dma_start3A_46] : memref<4x128xf32, #tpu.memory_space<vmem>> -> memref<1x128xf32, #tpu.memory_space<vmem>>
      %dma_start3A_48 = tpu.memref_squeeze %dma_start3A_47 : memref<1x128xf32, #tpu.memory_space<vmem>> -> memref<128xf32, #tpu.memory_space<vmem>>
      %dma_start3A_49 = arith.constant 0 : i32
      %dma_start3A_50 = tpu.memref_slice %arg11[%dma_start3A_44, %dma_start3A_49] : memref<4x128xi32, #tpu.memory_space<vmem>> -> memref<1x128xi32, #tpu.memory_space<vmem>>
      %dma_start3A_51 = tpu.memref_squeeze %dma_start3A_50 : memref<1x128xi32, #tpu.memory_space<vmem>> -> memref<128xi32, #tpu.memory_space<vmem>>
      %dma_start3A_52 = arith.constant 0 : i32
      %dma_start3A_53 = tpu.memref_slice %arg5[%dma_start3A_52] : memref<4227136xf32, #tpu.memory_space<hbm>> -> memref<4227136xf32, #tpu.memory_space<hbm>>
      tpu.enqueue_indirect_dma source(%dma_start3A_53 : memref<4227136xf32, #tpu.memory_space<hbm>>) target(%dma_start3A_48 : memref<128xf32, #tpu.memory_space<vmem>>) offsets(%dma_start3A_51 : memref<128xi32, #tpu.memory_space<vmem>>) semaphore(%arg16 : memref<!tpu.dma_semaphore, #tpu.memory_space<semaphore_mem>>)
      %dma_start3A_54 = arith.constant 1 : i32
      %dma_start3A_55 = arith.constant 1 : i32
      %dma_start3A_56 = arith.constant 0 : i32
      %dma_start3A_57 = tpu.memref_slice %arg12[%dma_start3A_55, %dma_start3A_56] : memref<4x128xf32, #tpu.memory_space<vmem>> -> memref<1x128xf32, #tpu.memory_space<vmem>>
      %dma_start3A_58 = tpu.memref_squeeze %dma_start3A_57 : memref<1x128xf32, #tpu.memory_space<vmem>> -> memref<128xf32, #tpu.memory_space<vmem>>
      %dma_start3A_59 = arith.constant 0 : i32
      %dma_start3A_60 = tpu.memref_slice %arg11[%dma_start3A_54, %dma_start3A_59] : memref<4x128xi32, #tpu.memory_space<vmem>> -> memref<1x128xi32, #tpu.memory_space<vmem>>
      %dma_start3A_61 = tpu.memref_squeeze %dma_start3A_60 : memref<1x128xi32, #tpu.memory_space<vmem>> -> memref<128xi32, #tpu.memory_space<vmem>>
      %dma_start3A_62 = arith.constant 0 : i32
      %dma_start3A_63 = tpu.memref_slice %arg2[%dma_start3A_62] : memref<4227136xf32, #tpu.memory_space<hbm>> -> memref<4227136xf32, #tpu.memory_space<hbm>>
      tpu.enqueue_indirect_dma source(%dma_start3A_63 : memref<4227136xf32, #tpu.memory_space<hbm>>) target(%dma_start3A_58 : memref<128xf32, #tpu.memory_space<vmem>>) offsets(%dma_start3A_61 : memref<128xi32, #tpu.memory_space<vmem>>) semaphore(%arg16 : memref<!tpu.dma_semaphore, #tpu.memory_space<semaphore_mem>>)
      %dma_start3A_64 = arith.constant 1 : i32
      %dma_start3A_65 = arith.constant 1 : i32
      %dma_start3A_66 = arith.constant 0 : i32
      %dma_start3A_67 = tpu.memref_slice %arg13[%dma_start3A_65, %dma_start3A_66] : memref<4x128xf32, #tpu.memory_space<vmem>> -> memref<1x128xf32, #tpu.memory_space<vmem>>
      %dma_start3A_68 = tpu.memref_squeeze %dma_start3A_67 : memref<1x128xf32, #tpu.memory_space<vmem>> -> memref<128xf32, #tpu.memory_space<vmem>>
      %dma_start3A_69 = arith.constant 0 : i32
      %dma_start3A_70 = tpu.memref_slice %arg11[%dma_start3A_64, %dma_start3A_69] : memref<4x128xi32, #tpu.memory_space<vmem>> -> memref<1x128xi32, #tpu.memory_space<vmem>>
      %dma_start3A_71 = tpu.memref_squeeze %dma_start3A_70 : memref<1x128xi32, #tpu.memory_space<vmem>> -> memref<128xi32, #tpu.memory_space<vmem>>
      %dma_start3A_72 = arith.constant 0 : i32
      %dma_start3A_73 = tpu.memref_slice %arg3[%dma_start3A_72] : memref<4227136xf32, #tpu.memory_space<hbm>> -> memref<4227136xf32, #tpu.memory_space<hbm>>
      tpu.enqueue_indirect_dma source(%dma_start3A_73 : memref<4227136xf32, #tpu.memory_space<hbm>>) target(%dma_start3A_68 : memref<128xf32, #tpu.memory_space<vmem>>) offsets(%dma_start3A_71 : memref<128xi32, #tpu.memory_space<vmem>>) semaphore(%arg16 : memref<!tpu.dma_semaphore, #tpu.memory_space<semaphore_mem>>)
      %dma_start3A_74 = arith.constant 1 : i32
      %dma_start3A_75 = arith.constant 1 : i32
      %dma_start3A_76 = arith.constant 0 : i32
      %dma_start3A_77 = tpu.memref_slice %arg14[%dma_start3A_75, %dma_start3A_76] : memref<4x128xf32, #tpu.memory_space<vmem>> -> memref<1x128xf32, #tpu.memory_space<vmem>>
      %dma_start3A_78 = tpu.memref_squeeze %dma_start3A_77 : memref<1x128xf32, #tpu.memory_space<vmem>> -> memref<128xf32, #tpu.memory_space<vmem>>
      %dma_start3A_79 = arith.constant 0 : i32
      %dma_start3A_80 = tpu.memref_slice %arg11[%dma_start3A_74, %dma_start3A_79] : memref<4x128xi32, #tpu.memory_space<vmem>> -> memref<1x128xi32, #tpu.memory_space<vmem>>
      %dma_start3A_81 = tpu.memref_squeeze %dma_start3A_80 : memref<1x128xi32, #tpu.memory_space<vmem>> -> memref<128xi32, #tpu.memory_space<vmem>>
      %dma_start3A_82 = arith.constant 0 : i32
      %dma_start3A_83 = tpu.memref_slice %arg4[%dma_start3A_82] : memref<4227136xf32, #tpu.memory_space<hbm>> -> memref<4227136xf32, #tpu.memory_space<hbm>>
      tpu.enqueue_indirect_dma source(%dma_start3A_83 : memref<4227136xf32, #tpu.memory_space<hbm>>) target(%dma_start3A_78 : memref<128xf32, #tpu.memory_space<vmem>>) offsets(%dma_start3A_81 : memref<128xi32, #tpu.memory_space<vmem>>) semaphore(%arg16 : memref<!tpu.dma_semaphore, #tpu.memory_space<semaphore_mem>>)
      %dma_start3A_84 = arith.constant 1 : i32
      %dma_start3A_85 = arith.constant 1 : i32
      %dma_start3A_86 = arith.constant 0 : i32
      %dma_start3A_87 = tpu.memref_slice %arg15[%dma_start3A_85, %dma_start3A_86] : memref<4x128xf32, #tpu.memory_space<vmem>> -> memref<1x128xf32, #tpu.memory_space<vmem>>
      %dma_start3A_88 = tpu.memref_squeeze %dma_start3A_87 : memref<1x128xf32, #tpu.memory_space<vmem>> -> memref<128xf32, #tpu.memory_space<vmem>>
      %dma_start3A_89 = arith.constant 0 : i32
      %dma_start3A_90 = tpu.memref_slice %arg11[%dma_start3A_84, %dma_start3A_89] : memref<4x128xi32, #tpu.memory_space<vmem>> -> memref<1x128xi32, #tpu.memory_space<vmem>>
      %dma_start3A_91 = tpu.memref_squeeze %dma_start3A_90 : memref<1x128xi32, #tpu.memory_space<vmem>> -> memref<128xi32, #tpu.memory_space<vmem>>
      %dma_start3A_92 = arith.constant 0 : i32
      %dma_start3A_93 = tpu.memref_slice %arg5[%dma_start3A_92] : memref<4227136xf32, #tpu.memory_space<hbm>> -> memref<4227136xf32, #tpu.memory_space<hbm>>
      tpu.enqueue_indirect_dma source(%dma_start3A_93 : memref<4227136xf32, #tpu.memory_space<hbm>>) target(%dma_start3A_88 : memref<128xf32, #tpu.memory_space<vmem>>) offsets(%dma_start3A_91 : memref<128xi32, #tpu.memory_space<vmem>>) semaphore(%arg16 : memref<!tpu.dma_semaphore, #tpu.memory_space<semaphore_mem>>)
      %dma_start3A_94 = arith.constant 2 : i32
      %dma_start3A_95 = arith.constant 2 : i32
      %dma_start3A_96 = arith.constant 0 : i32
      %dma_start3A_97 = tpu.memref_slice %arg12[%dma_start3A_95, %dma_start3A_96] : memref<4x128xf32, #tpu.memory_space<vmem>> -> memref<1x128xf32, #tpu.memory_space<vmem>>
      %dma_start3A_98 = tpu.memref_squeeze %dma_start3A_97 : memref<1x128xf32, #tpu.memory_space<vmem>> -> memref<128xf32, #tpu.memory_space<vmem>>
      %dma_start3A_99 = arith.constant 0 : i32
      %dma_start3A_100 = tpu.memref_slice %arg11[%dma_start3A_94, %dma_start3A_99] : memref<4x128xi32, #tpu.memory_space<vmem>> -> memref<1x128xi32, #tpu.memory_space<vmem>>
      %dma_start3A_101 = tpu.memref_squeeze %dma_start3A_100 : memref<1x128xi32, #tpu.memory_space<vmem>> -> memref<128xi32, #tpu.memory_space<vmem>>
      %dma_start3A_102 = arith.constant 0 : i32
      %dma_start3A_103 = tpu.memref_slice %arg2[%dma_start3A_102] : memref<4227136xf32, #tpu.memory_space<hbm>> -> memref<4227136xf32, #tpu.memory_space<hbm>>
      tpu.enqueue_indirect_dma source(%dma_start3A_103 : memref<4227136xf32, #tpu.memory_space<hbm>>) target(%dma_start3A_98 : memref<128xf32, #tpu.memory_space<vmem>>) offsets(%dma_start3A_101 : memref<128xi32, #tpu.memory_space<vmem>>) semaphore(%arg16 : memref<!tpu.dma_semaphore, #tpu.memory_space<semaphore_mem>>)
      %dma_start3A_104 = arith.constant 2 : i32
      %dma_start3A_105 = arith.constant 2 : i32
      %dma_start3A_106 = arith.constant 0 : i32
      %dma_start3A_107 = tpu.memref_slice %arg13[%dma_start3A_105, %dma_start3A_106] : memref<4x128xf32, #tpu.memory_space<vmem>> -> memref<1x128xf32, #tpu.memory_space<vmem>>
      %dma_start3A_108 = tpu.memref_squeeze %dma_start3A_107 : memref<1x128xf32, #tpu.memory_space<vmem>> -> memref<128xf32, #tpu.memory_space<vmem>>
      %dma_start3A_109 = arith.constant 0 : i32
      %dma_start3A_110 = tpu.memref_slice %arg11[%dma_start3A_104, %dma_start3A_109] : memref<4x128xi32, #tpu.memory_space<vmem>> -> memref<1x128xi32, #tpu.memory_space<vmem>>
      %dma_start3A_111 = tpu.memref_squeeze %dma_start3A_110 : memref<1x128xi32, #tpu.memory_space<vmem>> -> memref<128xi32, #tpu.memory_space<vmem>>
      %dma_start3A_112 = arith.constant 0 : i32
      %dma_start3A_113 = tpu.memref_slice %arg3[%dma_start3A_112] : memref<4227136xf32, #tpu.memory_space<hbm>> -> memref<4227136xf32, #tpu.memory_space<hbm>>
      tpu.enqueue_indirect_dma source(%dma_start3A_113 : memref<4227136xf32, #tpu.memory_space<hbm>>) target(%dma_start3A_108 : memref<128xf32, #tpu.memory_space<vmem>>) offsets(%dma_start3A_111 : memref<128xi32, #tpu.memory_space<vmem>>) semaphore(%arg16 : memref<!tpu.dma_semaphore, #tpu.memory_space<semaphore_mem>>)
      %dma_start3A_114 = arith.constant 2 : i32
      %dma_start3A_115 = arith.constant 2 : i32
      %dma_start3A_116 = arith.constant 0 : i32
      %dma_start3A_117 = tpu.memref_slice %arg14[%dma_start3A_115, %dma_start3A_116] : memref<4x128xf32, #tpu.memory_space<vmem>> -> memref<1x128xf32, #tpu.memory_space<vmem>>
      %dma_start3A_118 = tpu.memref_squeeze %dma_start3A_117 : memref<1x128xf32, #tpu.memory_space<vmem>> -> memref<128xf32, #tpu.memory_space<vmem>>
      %dma_start3A_119 = arith.constant 0 : i32
      %dma_start3A_120 = tpu.memref_slice %arg11[%dma_start3A_114, %dma_start3A_119] : memref<4x128xi32, #tpu.memory_space<vmem>> -> memref<1x128xi32, #tpu.memory_space<vmem>>
      %dma_start3A_121 = tpu.memref_squeeze %dma_start3A_120 : memref<1x128xi32, #tpu.memory_space<vmem>> -> memref<128xi32, #tpu.memory_space<vmem>>
      %dma_start3A_122 = arith.constant 0 : i32
      %dma_start3A_123 = tpu.memref_slice %arg4[%dma_start3A_122] : memref<4227136xf32, #tpu.memory_space<hbm>> -> memref<4227136xf32, #tpu.memory_space<hbm>>
      tpu.enqueue_indirect_dma source(%dma_start3A_123 : memref<4227136xf32, #tpu.memory_space<hbm>>) target(%dma_start3A_118 : memref<128xf32, #tpu.memory_space<vmem>>) offsets(%dma_start3A_121 : memref<128xi32, #tpu.memory_space<vmem>>) semaphore(%arg16 : memref<!tpu.dma_semaphore, #tpu.memory_space<semaphore_mem>>)
      %dma_start3A_124 = arith.constant 2 : i32
      %dma_start3A_125 = arith.constant 2 : i32
      %dma_start3A_126 = arith.constant 0 : i32
      %dma_start3A_127 = tpu.memref_slice %arg15[%dma_start3A_125, %dma_start3A_126] : memref<4x128xf32, #tpu.memory_space<vmem>> -> memref<1x128xf32, #tpu.memory_space<vmem>>
      %dma_start3A_128 = tpu.memref_squeeze %dma_start3A_127 : memref<1x128xf32, #tpu.memory_space<vmem>> -> memref<128xf32, #tpu.memory_space<vmem>>
      %dma_start3A_129 = arith.constant 0 : i32
      %dma_start3A_130 = tpu.memref_slice %arg11[%dma_start3A_124, %dma_start3A_129] : memref<4x128xi32, #tpu.memory_space<vmem>> -> memref<1x128xi32, #tpu.memory_space<vmem>>
      %dma_start3A_131 = tpu.memref_squeeze %dma_start3A_130 : memref<1x128xi32, #tpu.memory_space<vmem>> -> memref<128xi32, #tpu.memory_space<vmem>>
      %dma_start3A_132 = arith.constant 0 : i32
      %dma_start3A_133 = tpu.memref_slice %arg5[%dma_start3A_132] : memref<4227136xf32, #tpu.memory_space<hbm>> -> memref<4227136xf32, #tpu.memory_space<hbm>>
      tpu.enqueue_indirect_dma source(%dma_start3A_133 : memref<4227136xf32, #tpu.memory_space<hbm>>) target(%dma_start3A_128 : memref<128xf32, #tpu.memory_space<vmem>>) offsets(%dma_start3A_131 : memref<128xi32, #tpu.memory_space<vmem>>) semaphore(%arg16 : memref<!tpu.dma_semaphore, #tpu.memory_space<semaphore_mem>>)
      %dma_start3A_134 = arith.constant 3 : i32
      %dma_start3A_135 = arith.constant 3 : i32
      %dma_start3A_136 = arith.constant 0 : i32
      %dma_start3A_137 = tpu.memref_slice %arg12[%dma_start3A_135, %dma_start3A_136] : memref<4x128xf32, #tpu.memory_space<vmem>> -> memref<1x128xf32, #tpu.memory_space<vmem>>
      %dma_start3A_138 = tpu.memref_squeeze %dma_start3A_137 : memref<1x128xf32, #tpu.memory_space<vmem>> -> memref<128xf32, #tpu.memory_space<vmem>>
      %dma_start3A_139 = arith.constant 0 : i32
      %dma_start3A_140 = tpu.memref_slice %arg11[%dma_start3A_134, %dma_start3A_139] : memref<4x128xi32, #tpu.memory_space<vmem>> -> memref<1x128xi32, #tpu.memory_space<vmem>>
      %dma_start3A_141 = tpu.memref_squeeze %dma_start3A_140 : memref<1x128xi32, #tpu.memory_space<vmem>> -> memref<128xi32, #tpu.memory_space<vmem>>
      %dma_start3A_142 = arith.constant 0 : i32
      %dma_start3A_143 = tpu.memref_slice %arg2[%dma_start3A_142] : memref<4227136xf32, #tpu.memory_space<hbm>> -> memref<4227136xf32, #tpu.memory_space<hbm>>
      tpu.enqueue_indirect_dma source(%dma_start3A_143 : memref<4227136xf32, #tpu.memory_space<hbm>>) target(%dma_start3A_138 : memref<128xf32, #tpu.memory_space<vmem>>) offsets(%dma_start3A_141 : memref<128xi32, #tpu.memory_space<vmem>>) semaphore(%arg16 : memref<!tpu.dma_semaphore, #tpu.memory_space<semaphore_mem>>)
      %dma_start3A_144 = arith.constant 3 : i32
      %dma_start3A_145 = arith.constant 3 : i32
      %dma_start3A_146 = arith.constant 0 : i32
      %dma_start3A_147 = tpu.memref_slice %arg13[%dma_start3A_145, %dma_start3A_146] : memref<4x128xf32, #tpu.memory_space<vmem>> -> memref<1x128xf32, #tpu.memory_space<vmem>>
      %dma_start3A_148 = tpu.memref_squeeze %dma_start3A_147 : memref<1x128xf32, #tpu.memory_space<vmem>> -> memref<128xf32, #tpu.memory_space<vmem>>
      %dma_start3A_149 = arith.constant 0 : i32
      %dma_start3A_150 = tpu.memref_slice %arg11[%dma_start3A_144, %dma_start3A_149] : memref<4x128xi32, #tpu.memory_space<vmem>> -> memref<1x128xi32, #tpu.memory_space<vmem>>
      %dma_start3A_151 = tpu.memref_squeeze %dma_start3A_150 : memref<1x128xi32, #tpu.memory_space<vmem>> -> memref<128xi32, #tpu.memory_space<vmem>>
      %dma_start3A_152 = arith.constant 0 : i32
      %dma_start3A_153 = tpu.memref_slice %arg3[%dma_start3A_152] : memref<4227136xf32, #tpu.memory_space<hbm>> -> memref<4227136xf32, #tpu.memory_space<hbm>>
      tpu.enqueue_indirect_dma source(%dma_start3A_153 : memref<4227136xf32, #tpu.memory_space<hbm>>) target(%dma_start3A_148 : memref<128xf32, #tpu.memory_space<vmem>>) offsets(%dma_start3A_151 : memref<128xi32, #tpu.memory_space<vmem>>) semaphore(%arg16 : memref<!tpu.dma_semaphore, #tpu.memory_space<semaphore_mem>>)
      %dma_start3A_154 = arith.constant 3 : i32
      %dma_start3A_155 = arith.constant 3 : i32
      %dma_start3A_156 = arith.constant 0 : i32
      %dma_start3A_157 = tpu.memref_slice %arg14[%dma_start3A_155, %dma_start3A_156] : memref<4x128xf32, #tpu.memory_space<vmem>> -> memref<1x128xf32, #tpu.memory_space<vmem>>
      %dma_start3A_158 = tpu.memref_squeeze %dma_start3A_157 : memref<1x128xf32, #tpu.memory_space<vmem>> -> memref<128xf32, #tpu.memory_space<vmem>>
      %dma_start3A_159 = arith.constant 0 : i32
      %dma_start3A_160 = tpu.memref_slice %arg11[%dma_start3A_154, %dma_start3A_159] : memref<4x128xi32, #tpu.memory_space<vmem>> -> memref<1x128xi32, #tpu.memory_space<vmem>>
      %dma_start3A_161 = tpu.memref_squeeze %dma_start3A_160 : memref<1x128xi32, #tpu.memory_space<vmem>> -> memref<128xi32, #tpu.memory_space<vmem>>
      %dma_start3A_162 = arith.constant 0 : i32
      %dma_start3A_163 = tpu.memref_slice %arg4[%dma_start3A_162] : memref<4227136xf32, #tpu.memory_space<hbm>> -> memref<4227136xf32, #tpu.memory_space<hbm>>
      tpu.enqueue_indirect_dma source(%dma_start3A_163 : memref<4227136xf32, #tpu.memory_space<hbm>>) target(%dma_start3A_158 : memref<128xf32, #tpu.memory_space<vmem>>) offsets(%dma_start3A_161 : memref<128xi32, #tpu.memory_space<vmem>>) semaphore(%arg16 : memref<!tpu.dma_semaphore, #tpu.memory_space<semaphore_mem>>)
      %dma_start3A_164 = arith.constant 3 : i32
      %dma_start3A_165 = arith.constant 3 : i32
      %dma_start3A_166 = arith.constant 0 : i32
      %dma_start3A_167 = tpu.memref_slice %arg15[%dma_start3A_165, %dma_start3A_166] : memref<4x128xf32, #tpu.memory_space<vmem>> -> memref<1x128xf32, #tpu.memory_space<vmem>>
      %dma_start3A_168 = tpu.memref_squeeze %dma_start3A_167 : memref<1x128xf32, #tpu.memory_space<vmem>> -> memref<128xf32, #tpu.memory_space<vmem>>
      %dma_start3A_169 = arith.constant 0 : i32
      %dma_start3A_170 = tpu.memref_slice %arg11[%dma_start3A_164, %dma_start3A_169] : memref<4x128xi32, #tpu.memory_space<vmem>> -> memref<1x128xi32, #tpu.memory_space<vmem>>
      %dma_start3A_171 = tpu.memref_squeeze %dma_start3A_170 : memref<1x128xi32, #tpu.memory_space<vmem>> -> memref<128xi32, #tpu.memory_space<vmem>>
      %dma_start3A_172 = arith.constant 0 : i32
      %dma_start3A_173 = tpu.memref_slice %arg5[%dma_start3A_172] : memref<4227136xf32, #tpu.memory_space<hbm>> -> memref<4227136xf32, #tpu.memory_space<hbm>>
      tpu.enqueue_indirect_dma source(%dma_start3A_173 : memref<4227136xf32, #tpu.memory_space<hbm>>) target(%dma_start3A_168 : memref<128xf32, #tpu.memory_space<vmem>>) offsets(%dma_start3A_171 : memref<128xi32, #tpu.memory_space<vmem>>) semaphore(%arg16 : memref<!tpu.dma_semaphore, #tpu.memory_space<semaphore_mem>>)
      %dma_wait3A = arith.constant 0 : i32
      %dma_wait3A_174 = arith.constant 0 : i32
      %dma_wait3A_175 = arith.constant 0 : i32
      %dma_wait3A_176 = tpu.memref_slice %arg12[%dma_wait3A_174, %dma_wait3A_175] : memref<4x128xf32, #tpu.memory_space<vmem>> -> memref<1x128xf32, #tpu.memory_space<vmem>>
      %dma_wait3A_177 = tpu.memref_squeeze %dma_wait3A_176 : memref<1x128xf32, #tpu.memory_space<vmem>> -> memref<128xf32, #tpu.memory_space<vmem>>
      %dma_wait3A_178 = arith.constant 0 : i32
      %dma_wait3A_179 = tpu.memref_slice %arg11[%dma_wait3A, %dma_wait3A_178] : memref<4x128xi32, #tpu.memory_space<vmem>> -> memref<1x128xi32, #tpu.memory_space<vmem>>
      %dma_wait3A_180 = tpu.memref_squeeze %dma_wait3A_179 : memref<1x128xi32, #tpu.memory_space<vmem>> -> memref<128xi32, #tpu.memory_space<vmem>>
      %dma_wait3A_181 = arith.constant 0 : i32
      %dma_wait3A_182 = tpu.memref_slice %arg2[%dma_wait3A_181] : memref<4227136xf32, #tpu.memory_space<hbm>> -> memref<4227136xf32, #tpu.memory_space<hbm>>
      tpu.wait_indirect_dma semaphore(%arg16 : memref<!tpu.dma_semaphore, #tpu.memory_space<semaphore_mem>>) src(%dma_wait3A_182 : memref<4227136xf32, #tpu.memory_space<hbm>>) dst(%dma_wait3A_177 : memref<128xf32, #tpu.memory_space<vmem>>)
      %dma_wait3A_183 = arith.constant 0 : i32
      %dma_wait3A_184 = arith.constant 0 : i32
      %dma_wait3A_185 = arith.constant 0 : i32
      %dma_wait3A_186 = tpu.memref_slice %arg13[%dma_wait3A_184, %dma_wait3A_185] : memref<4x128xf32, #tpu.memory_space<vmem>> -> memref<1x128xf32, #tpu.memory_space<vmem>>
      %dma_wait3A_187 = tpu.memref_squeeze %dma_wait3A_186 : memref<1x128xf32, #tpu.memory_space<vmem>> -> memref<128xf32, #tpu.memory_space<vmem>>
      %dma_wait3A_188 = arith.constant 0 : i32
      %dma_wait3A_189 = tpu.memref_slice %arg11[%dma_wait3A_183, %dma_wait3A_188] : memref<4x128xi32, #tpu.memory_space<vmem>> -> memref<1x128xi32, #tpu.memory_space<vmem>>
      %dma_wait3A_190 = tpu.memref_squeeze %dma_wait3A_189 : memref<1x128xi32, #tpu.memory_space<vmem>> -> memref<128xi32, #tpu.memory_space<vmem>>
      %dma_wait3A_191 = arith.constant 0 : i32
      %dma_wait3A_192 = tpu.memref_slice %arg3[%dma_wait3A_191] : memref<4227136xf32, #tpu.memory_space<hbm>> -> memref<4227136xf32, #tpu.memory_space<hbm>>
      tpu.wait_indirect_dma semaphore(%arg16 : memref<!tpu.dma_semaphore, #tpu.memory_space<semaphore_mem>>) src(%dma_wait3A_192 : memref<4227136xf32, #tpu.memory_space<hbm>>) dst(%dma_wait3A_187 : memref<128xf32, #tpu.memory_space<vmem>>)
      %dma_wait3A_193 = arith.constant 0 : i32
      %dma_wait3A_194 = arith.constant 0 : i32
      %dma_wait3A_195 = arith.constant 0 : i32
      %dma_wait3A_196 = tpu.memref_slice %arg14[%dma_wait3A_194, %dma_wait3A_195] : memref<4x128xf32, #tpu.memory_space<vmem>> -> memref<1x128xf32, #tpu.memory_space<vmem>>
      %dma_wait3A_197 = tpu.memref_squeeze %dma_wait3A_196 : memref<1x128xf32, #tpu.memory_space<vmem>> -> memref<128xf32, #tpu.memory_space<vmem>>
      %dma_wait3A_198 = arith.constant 0 : i32
      %dma_wait3A_199 = tpu.memref_slice %arg11[%dma_wait3A_193, %dma_wait3A_198] : memref<4x128xi32, #tpu.memory_space<vmem>> -> memref<1x128xi32, #tpu.memory_space<vmem>>
      %dma_wait3A_200 = tpu.memref_squeeze %dma_wait3A_199 : memref<1x128xi32, #tpu.memory_space<vmem>> -> memref<128xi32, #tpu.memory_space<vmem>>
      %dma_wait3A_201 = arith.constant 0 : i32
      %dma_wait3A_202 = tpu.memref_slice %arg4[%dma_wait3A_201] : memref<4227136xf32, #tpu.memory_space<hbm>> -> memref<4227136xf32, #tpu.memory_space<hbm>>
      tpu.wait_indirect_dma semaphore(%arg16 : memref<!tpu.dma_semaphore, #tpu.memory_space<semaphore_mem>>) src(%dma_wait3A_202 : memref<4227136xf32, #tpu.memory_space<hbm>>) dst(%dma_wait3A_197 : memref<128xf32, #tpu.memory_space<vmem>>)
      %dma_wait3A_203 = arith.constant 0 : i32
      %dma_wait3A_204 = arith.constant 0 : i32
      %dma_wait3A_205 = arith.constant 0 : i32
      %dma_wait3A_206 = tpu.memref_slice %arg15[%dma_wait3A_204, %dma_wait3A_205] : memref<4x128xf32, #tpu.memory_space<vmem>> -> memref<1x128xf32, #tpu.memory_space<vmem>>
      %dma_wait3A_207 = tpu.memref_squeeze %dma_wait3A_206 : memref<1x128xf32, #tpu.memory_space<vmem>> -> memref<128xf32, #tpu.memory_space<vmem>>
      %dma_wait3A_208 = arith.constant 0 : i32
      %dma_wait3A_209 = tpu.memref_slice %arg11[%dma_wait3A_203, %dma_wait3A_208] : memref<4x128xi32, #tpu.memory_space<vmem>> -> memref<1x128xi32, #tpu.memory_space<vmem>>
      %dma_wait3A_210 = tpu.memref_squeeze %dma_wait3A_209 : memref<1x128xi32, #tpu.memory_space<vmem>> -> memref<128xi32, #tpu.memory_space<vmem>>
      %dma_wait3A_211 = arith.constant 0 : i32
      %dma_wait3A_212 = tpu.memref_slice %arg5[%dma_wait3A_211] : memref<4227136xf32, #tpu.memory_space<hbm>> -> memref<4227136xf32, #tpu.memory_space<hbm>>
      tpu.wait_indirect_dma semaphore(%arg16 : memref<!tpu.dma_semaphore, #tpu.memory_space<semaphore_mem>>) src(%dma_wait3A_212 : memref<4227136xf32, #tpu.memory_space<hbm>>) dst(%dma_wait3A_207 : memref<128xf32, #tpu.memory_space<vmem>>)
      %dma_wait3A_213 = arith.constant 1 : i32
      %dma_wait3A_214 = arith.constant 1 : i32
      %dma_wait3A_215 = arith.constant 0 : i32
      %dma_wait3A_216 = tpu.memref_slice %arg12[%dma_wait3A_214, %dma_wait3A_215] : memref<4x128xf32, #tpu.memory_space<vmem>> -> memref<1x128xf32, #tpu.memory_space<vmem>>
      %dma_wait3A_217 = tpu.memref_squeeze %dma_wait3A_216 : memref<1x128xf32, #tpu.memory_space<vmem>> -> memref<128xf32, #tpu.memory_space<vmem>>
      %dma_wait3A_218 = arith.constant 0 : i32
      %dma_wait3A_219 = tpu.memref_slice %arg11[%dma_wait3A_213, %dma_wait3A_218] : memref<4x128xi32, #tpu.memory_space<vmem>> -> memref<1x128xi32, #tpu.memory_space<vmem>>
      %dma_wait3A_220 = tpu.memref_squeeze %dma_wait3A_219 : memref<1x128xi32, #tpu.memory_space<vmem>> -> memref<128xi32, #tpu.memory_space<vmem>>
      %dma_wait3A_221 = arith.constant 0 : i32
      %dma_wait3A_222 = tpu.memref_slice %arg2[%dma_wait3A_221] : memref<4227136xf32, #tpu.memory_space<hbm>> -> memref<4227136xf32, #tpu.memory_space<hbm>>
      tpu.wait_indirect_dma semaphore(%arg16 : memref<!tpu.dma_semaphore, #tpu.memory_space<semaphore_mem>>) src(%dma_wait3A_222 : memref<4227136xf32, #tpu.memory_space<hbm>>) dst(%dma_wait3A_217 : memref<128xf32, #tpu.memory_space<vmem>>)
      %dma_wait3A_223 = arith.constant 1 : i32
      %dma_wait3A_224 = arith.constant 1 : i32
      %dma_wait3A_225 = arith.constant 0 : i32
      %dma_wait3A_226 = tpu.memref_slice %arg13[%dma_wait3A_224, %dma_wait3A_225] : memref<4x128xf32, #tpu.memory_space<vmem>> -> memref<1x128xf32, #tpu.memory_space<vmem>>
      %dma_wait3A_227 = tpu.memref_squeeze %dma_wait3A_226 : memref<1x128xf32, #tpu.memory_space<vmem>> -> memref<128xf32, #tpu.memory_space<vmem>>
      %dma_wait3A_228 = arith.constant 0 : i32
      %dma_wait3A_229 = tpu.memref_slice %arg11[%dma_wait3A_223, %dma_wait3A_228] : memref<4x128xi32, #tpu.memory_space<vmem>> -> memref<1x128xi32, #tpu.memory_space<vmem>>
      %dma_wait3A_230 = tpu.memref_squeeze %dma_wait3A_229 : memref<1x128xi32, #tpu.memory_space<vmem>> -> memref<128xi32, #tpu.memory_space<vmem>>
      %dma_wait3A_231 = arith.constant 0 : i32
      %dma_wait3A_232 = tpu.memref_slice %arg3[%dma_wait3A_231] : memref<4227136xf32, #tpu.memory_space<hbm>> -> memref<4227136xf32, #tpu.memory_space<hbm>>
      tpu.wait_indirect_dma semaphore(%arg16 : memref<!tpu.dma_semaphore, #tpu.memory_space<semaphore_mem>>) src(%dma_wait3A_232 : memref<4227136xf32, #tpu.memory_space<hbm>>) dst(%dma_wait3A_227 : memref<128xf32, #tpu.memory_space<vmem>>)
      %dma_wait3A_233 = arith.constant 1 : i32
      %dma_wait3A_234 = arith.constant 1 : i32
      %dma_wait3A_235 = arith.constant 0 : i32
      %dma_wait3A_236 = tpu.memref_slice %arg14[%dma_wait3A_234, %dma_wait3A_235] : memref<4x128xf32, #tpu.memory_space<vmem>> -> memref<1x128xf32, #tpu.memory_space<vmem>>
      %dma_wait3A_237 = tpu.memref_squeeze %dma_wait3A_236 : memref<1x128xf32, #tpu.memory_space<vmem>> -> memref<128xf32, #tpu.memory_space<vmem>>
      %dma_wait3A_238 = arith.constant 0 : i32
      %dma_wait3A_239 = tpu.memref_slice %arg11[%dma_wait3A_233, %dma_wait3A_238] : memref<4x128xi32, #tpu.memory_space<vmem>> -> memref<1x128xi32, #tpu.memory_space<vmem>>
      %dma_wait3A_240 = tpu.memref_squeeze %dma_wait3A_239 : memref<1x128xi32, #tpu.memory_space<vmem>> -> memref<128xi32, #tpu.memory_space<vmem>>
      %dma_wait3A_241 = arith.constant 0 : i32
      %dma_wait3A_242 = tpu.memref_slice %arg4[%dma_wait3A_241] : memref<4227136xf32, #tpu.memory_space<hbm>> -> memref<4227136xf32, #tpu.memory_space<hbm>>
      tpu.wait_indirect_dma semaphore(%arg16 : memref<!tpu.dma_semaphore, #tpu.memory_space<semaphore_mem>>) src(%dma_wait3A_242 : memref<4227136xf32, #tpu.memory_space<hbm>>) dst(%dma_wait3A_237 : memref<128xf32, #tpu.memory_space<vmem>>)
      %dma_wait3A_243 = arith.constant 1 : i32
      %dma_wait3A_244 = arith.constant 1 : i32
      %dma_wait3A_245 = arith.constant 0 : i32
      %dma_wait3A_246 = tpu.memref_slice %arg15[%dma_wait3A_244, %dma_wait3A_245] : memref<4x128xf32, #tpu.memory_space<vmem>> -> memref<1x128xf32, #tpu.memory_space<vmem>>
      %dma_wait3A_247 = tpu.memref_squeeze %dma_wait3A_246 : memref<1x128xf32, #tpu.memory_space<vmem>> -> memref<128xf32, #tpu.memory_space<vmem>>
      %dma_wait3A_248 = arith.constant 0 : i32
      %dma_wait3A_249 = tpu.memref_slice %arg11[%dma_wait3A_243, %dma_wait3A_248] : memref<4x128xi32, #tpu.memory_space<vmem>> -> memref<1x128xi32, #tpu.memory_space<vmem>>
      %dma_wait3A_250 = tpu.memref_squeeze %dma_wait3A_249 : memref<1x128xi32, #tpu.memory_space<vmem>> -> memref<128xi32, #tpu.memory_space<vmem>>
      %dma_wait3A_251 = arith.constant 0 : i32
      %dma_wait3A_252 = tpu.memref_slice %arg5[%dma_wait3A_251] : memref<4227136xf32, #tpu.memory_space<hbm>> -> memref<4227136xf32, #tpu.memory_space<hbm>>
      tpu.wait_indirect_dma semaphore(%arg16 : memref<!tpu.dma_semaphore, #tpu.memory_space<semaphore_mem>>) src(%dma_wait3A_252 : memref<4227136xf32, #tpu.memory_space<hbm>>) dst(%dma_wait3A_247 : memref<128xf32, #tpu.memory_space<vmem>>)
      %dma_wait3A_253 = arith.constant 2 : i32
      %dma_wait3A_254 = arith.constant 2 : i32
      %dma_wait3A_255 = arith.constant 0 : i32
      %dma_wait3A_256 = tpu.memref_slice %arg12[%dma_wait3A_254, %dma_wait3A_255] : memref<4x128xf32, #tpu.memory_space<vmem>> -> memref<1x128xf32, #tpu.memory_space<vmem>>
      %dma_wait3A_257 = tpu.memref_squeeze %dma_wait3A_256 : memref<1x128xf32, #tpu.memory_space<vmem>> -> memref<128xf32, #tpu.memory_space<vmem>>
      %dma_wait3A_258 = arith.constant 0 : i32
      %dma_wait3A_259 = tpu.memref_slice %arg11[%dma_wait3A_253, %dma_wait3A_258] : memref<4x128xi32, #tpu.memory_space<vmem>> -> memref<1x128xi32, #tpu.memory_space<vmem>>
      %dma_wait3A_260 = tpu.memref_squeeze %dma_wait3A_259 : memref<1x128xi32, #tpu.memory_space<vmem>> -> memref<128xi32, #tpu.memory_space<vmem>>
      %dma_wait3A_261 = arith.constant 0 : i32
      %dma_wait3A_262 = tpu.memref_slice %arg2[%dma_wait3A_261] : memref<4227136xf32, #tpu.memory_space<hbm>> -> memref<4227136xf32, #tpu.memory_space<hbm>>
      tpu.wait_indirect_dma semaphore(%arg16 : memref<!tpu.dma_semaphore, #tpu.memory_space<semaphore_mem>>) src(%dma_wait3A_262 : memref<4227136xf32, #tpu.memory_space<hbm>>) dst(%dma_wait3A_257 : memref<128xf32, #tpu.memory_space<vmem>>)
      %dma_wait3A_263 = arith.constant 2 : i32
      %dma_wait3A_264 = arith.constant 2 : i32
      %dma_wait3A_265 = arith.constant 0 : i32
      %dma_wait3A_266 = tpu.memref_slice %arg13[%dma_wait3A_264, %dma_wait3A_265] : memref<4x128xf32, #tpu.memory_space<vmem>> -> memref<1x128xf32, #tpu.memory_space<vmem>>
      %dma_wait3A_267 = tpu.memref_squeeze %dma_wait3A_266 : memref<1x128xf32, #tpu.memory_space<vmem>> -> memref<128xf32, #tpu.memory_space<vmem>>
      %dma_wait3A_268 = arith.constant 0 : i32
      %dma_wait3A_269 = tpu.memref_slice %arg11[%dma_wait3A_263, %dma_wait3A_268] : memref<4x128xi32, #tpu.memory_space<vmem>> -> memref<1x128xi32, #tpu.memory_space<vmem>>
      %dma_wait3A_270 = tpu.memref_squeeze %dma_wait3A_269 : memref<1x128xi32, #tpu.memory_space<vmem>> -> memref<128xi32, #tpu.memory_space<vmem>>
      %dma_wait3A_271 = arith.constant 0 : i32
      %dma_wait3A_272 = tpu.memref_slice %arg3[%dma_wait3A_271] : memref<4227136xf32, #tpu.memory_space<hbm>> -> memref<4227136xf32, #tpu.memory_space<hbm>>
      tpu.wait_indirect_dma semaphore(%arg16 : memref<!tpu.dma_semaphore, #tpu.memory_space<semaphore_mem>>) src(%dma_wait3A_272 : memref<4227136xf32, #tpu.memory_space<hbm>>) dst(%dma_wait3A_267 : memref<128xf32, #tpu.memory_space<vmem>>)
      %dma_wait3A_273 = arith.constant 2 : i32
      %dma_wait3A_274 = arith.constant 2 : i32
      %dma_wait3A_275 = arith.constant 0 : i32
      %dma_wait3A_276 = tpu.memref_slice %arg14[%dma_wait3A_274, %dma_wait3A_275] : memref<4x128xf32, #tpu.memory_space<vmem>> -> memref<1x128xf32, #tpu.memory_space<vmem>>
      %dma_wait3A_277 = tpu.memref_squeeze %dma_wait3A_276 : memref<1x128xf32, #tpu.memory_space<vmem>> -> memref<128xf32, #tpu.memory_space<vmem>>
      %dma_wait3A_278 = arith.constant 0 : i32
      %dma_wait3A_279 = tpu.memref_slice %arg11[%dma_wait3A_273, %dma_wait3A_278] : memref<4x128xi32, #tpu.memory_space<vmem>> -> memref<1x128xi32, #tpu.memory_space<vmem>>
      %dma_wait3A_280 = tpu.memref_squeeze %dma_wait3A_279 : memref<1x128xi32, #tpu.memory_space<vmem>> -> memref<128xi32, #tpu.memory_space<vmem>>
      %dma_wait3A_281 = arith.constant 0 : i32
      %dma_wait3A_282 = tpu.memref_slice %arg4[%dma_wait3A_281] : memref<4227136xf32, #tpu.memory_space<hbm>> -> memref<4227136xf32, #tpu.memory_space<hbm>>
      tpu.wait_indirect_dma semaphore(%arg16 : memref<!tpu.dma_semaphore, #tpu.memory_space<semaphore_mem>>) src(%dma_wait3A_282 : memref<4227136xf32, #tpu.memory_space<hbm>>) dst(%dma_wait3A_277 : memref<128xf32, #tpu.memory_space<vmem>>)
      %dma_wait3A_283 = arith.constant 2 : i32
      %dma_wait3A_284 = arith.constant 2 : i32
      %dma_wait3A_285 = arith.constant 0 : i32
      %dma_wait3A_286 = tpu.memref_slice %arg15[%dma_wait3A_284, %dma_wait3A_285] : memref<4x128xf32, #tpu.memory_space<vmem>> -> memref<1x128xf32, #tpu.memory_space<vmem>>
      %dma_wait3A_287 = tpu.memref_squeeze %dma_wait3A_286 : memref<1x128xf32, #tpu.memory_space<vmem>> -> memref<128xf32, #tpu.memory_space<vmem>>
      %dma_wait3A_288 = arith.constant 0 : i32
      %dma_wait3A_289 = tpu.memref_slice %arg11[%dma_wait3A_283, %dma_wait3A_288] : memref<4x128xi32, #tpu.memory_space<vmem>> -> memref<1x128xi32, #tpu.memory_space<vmem>>
      %dma_wait3A_290 = tpu.memref_squeeze %dma_wait3A_289 : memref<1x128xi32, #tpu.memory_space<vmem>> -> memref<128xi32, #tpu.memory_space<vmem>>
      %dma_wait3A_291 = arith.constant 0 : i32
      %dma_wait3A_292 = tpu.memref_slice %arg5[%dma_wait3A_291] : memref<4227136xf32, #tpu.memory_space<hbm>> -> memref<4227136xf32, #tpu.memory_space<hbm>>
      tpu.wait_indirect_dma semaphore(%arg16 : memref<!tpu.dma_semaphore, #tpu.memory_space<semaphore_mem>>) src(%dma_wait3A_292 : memref<4227136xf32, #tpu.memory_space<hbm>>) dst(%dma_wait3A_287 : memref<128xf32, #tpu.memory_space<vmem>>)
      %dma_wait3A_293 = arith.constant 3 : i32
      %dma_wait3A_294 = arith.constant 3 : i32
      %dma_wait3A_295 = arith.constant 0 : i32
      %dma_wait3A_296 = tpu.memref_slice %arg12[%dma_wait3A_294, %dma_wait3A_295] : memref<4x128xf32, #tpu.memory_space<vmem>> -> memref<1x128xf32, #tpu.memory_space<vmem>>
      %dma_wait3A_297 = tpu.memref_squeeze %dma_wait3A_296 : memref<1x128xf32, #tpu.memory_space<vmem>> -> memref<128xf32, #tpu.memory_space<vmem>>
      %dma_wait3A_298 = arith.constant 0 : i32
      %dma_wait3A_299 = tpu.memref_slice %arg11[%dma_wait3A_293, %dma_wait3A_298] : memref<4x128xi32, #tpu.memory_space<vmem>> -> memref<1x128xi32, #tpu.memory_space<vmem>>
      %dma_wait3A_300 = tpu.memref_squeeze %dma_wait3A_299 : memref<1x128xi32, #tpu.memory_space<vmem>> -> memref<128xi32, #tpu.memory_space<vmem>>
      %dma_wait3A_301 = arith.constant 0 : i32
      %dma_wait3A_302 = tpu.memref_slice %arg2[%dma_wait3A_301] : memref<4227136xf32, #tpu.memory_space<hbm>> -> memref<4227136xf32, #tpu.memory_space<hbm>>
      tpu.wait_indirect_dma semaphore(%arg16 : memref<!tpu.dma_semaphore, #tpu.memory_space<semaphore_mem>>) src(%dma_wait3A_302 : memref<4227136xf32, #tpu.memory_space<hbm>>) dst(%dma_wait3A_297 : memref<128xf32, #tpu.memory_space<vmem>>)
      %dma_wait3A_303 = arith.constant 3 : i32
      %dma_wait3A_304 = arith.constant 3 : i32
      %dma_wait3A_305 = arith.constant 0 : i32
      %dma_wait3A_306 = tpu.memref_slice %arg13[%dma_wait3A_304, %dma_wait3A_305] : memref<4x128xf32, #tpu.memory_space<vmem>> -> memref<1x128xf32, #tpu.memory_space<vmem>>
      %dma_wait3A_307 = tpu.memref_squeeze %dma_wait3A_306 : memref<1x128xf32, #tpu.memory_space<vmem>> -> memref<128xf32, #tpu.memory_space<vmem>>
      %dma_wait3A_308 = arith.constant 0 : i32
      %dma_wait3A_309 = tpu.memref_slice %arg11[%dma_wait3A_303, %dma_wait3A_308] : memref<4x128xi32, #tpu.memory_space<vmem>> -> memref<1x128xi32, #tpu.memory_space<vmem>>
      %dma_wait3A_310 = tpu.memref_squeeze %dma_wait3A_309 : memref<1x128xi32, #tpu.memory_space<vmem>> -> memref<128xi32, #tpu.memory_space<vmem>>
      %dma_wait3A_311 = arith.constant 0 : i32
      %dma_wait3A_312 = tpu.memref_slice %arg3[%dma_wait3A_311] : memref<4227136xf32, #tpu.memory_space<hbm>> -> memref<4227136xf32, #tpu.memory_space<hbm>>
      tpu.wait_indirect_dma semaphore(%arg16 : memref<!tpu.dma_semaphore, #tpu.memory_space<semaphore_mem>>) src(%dma_wait3A_312 : memref<4227136xf32, #tpu.memory_space<hbm>>) dst(%dma_wait3A_307 : memref<128xf32, #tpu.memory_space<vmem>>)
      %dma_wait3A_313 = arith.constant 3 : i32
      %dma_wait3A_314 = arith.constant 3 : i32
      %dma_wait3A_315 = arith.constant 0 : i32
      %dma_wait3A_316 = tpu.memref_slice %arg14[%dma_wait3A_314, %dma_wait3A_315] : memref<4x128xf32, #tpu.memory_space<vmem>> -> memref<1x128xf32, #tpu.memory_space<vmem>>
      %dma_wait3A_317 = tpu.memref_squeeze %dma_wait3A_316 : memref<1x128xf32, #tpu.memory_space<vmem>> -> memref<128xf32, #tpu.memory_space<vmem>>
      %dma_wait3A_318 = arith.constant 0 : i32
      %dma_wait3A_319 = tpu.memref_slice %arg11[%dma_wait3A_313, %dma_wait3A_318] : memref<4x128xi32, #tpu.memory_space<vmem>> -> memref<1x128xi32, #tpu.memory_space<vmem>>
      %dma_wait3A_320 = tpu.memref_squeeze %dma_wait3A_319 : memref<1x128xi32, #tpu.memory_space<vmem>> -> memref<128xi32, #tpu.memory_space<vmem>>
      %dma_wait3A_321 = arith.constant 0 : i32
      %dma_wait3A_322 = tpu.memref_slice %arg4[%dma_wait3A_321] : memref<4227136xf32, #tpu.memory_space<hbm>> -> memref<4227136xf32, #tpu.memory_space<hbm>>
      tpu.wait_indirect_dma semaphore(%arg16 : memref<!tpu.dma_semaphore, #tpu.memory_space<semaphore_mem>>) src(%dma_wait3A_322 : memref<4227136xf32, #tpu.memory_space<hbm>>) dst(%dma_wait3A_317 : memref<128xf32, #tpu.memory_space<vmem>>)
      %dma_wait3A_323 = arith.constant 3 : i32
      %dma_wait3A_324 = arith.constant 3 : i32
      %dma_wait3A_325 = arith.constant 0 : i32
      %dma_wait3A_326 = tpu.memref_slice %arg15[%dma_wait3A_324, %dma_wait3A_325] : memref<4x128xf32, #tpu.memory_space<vmem>> -> memref<1x128xf32, #tpu.memory_space<vmem>>
      %dma_wait3A_327 = tpu.memref_squeeze %dma_wait3A_326 : memref<1x128xf32, #tpu.memory_space<vmem>> -> memref<128xf32, #tpu.memory_space<vmem>>
      %dma_wait3A_328 = arith.constant 0 : i32
      %dma_wait3A_329 = tpu.memref_slice %arg11[%dma_wait3A_323, %dma_wait3A_328] : memref<4x128xi32, #tpu.memory_space<vmem>> -> memref<1x128xi32, #tpu.memory_space<vmem>>
      %dma_wait3A_330 = tpu.memref_squeeze %dma_wait3A_329 : memref<1x128xi32, #tpu.memory_space<vmem>> -> memref<128xi32, #tpu.memory_space<vmem>>
      %dma_wait3A_331 = arith.constant 0 : i32
      %dma_wait3A_332 = tpu.memref_slice %arg5[%dma_wait3A_331] : memref<4227136xf32, #tpu.memory_space<hbm>> -> memref<4227136xf32, #tpu.memory_space<hbm>>
      tpu.wait_indirect_dma semaphore(%arg16 : memref<!tpu.dma_semaphore, #tpu.memory_space<semaphore_mem>>) src(%dma_wait3A_332 : memref<4227136xf32, #tpu.memory_space<hbm>>) dst(%dma_wait3A_327 : memref<128xf32, #tpu.memory_space<vmem>>)
      "tpu.region"() ({
        %run_scoped3A = tpu.sem_alloc : memref<!tpu.dma_semaphore, #tpu.memory_space<semaphore_mem>>
        %dma_start3A_333 = arith.constant 0 : i32
        %dma_start3A_334 = tpu.memref_slice %arg7[%add3A_14, %dma_start3A_333] : memref<32768x128xf32, #tpu.memory_space<hbm>> -> memref<4x128xf32, #tpu.memory_space<hbm>>
        %dma_start3A_335 = arith.constant 0 : i32
        %dma_start3A_336 = tpu.memref_slice %arg7[%add3A_14, %dma_start3A_335] : memref<32768x128xf32, #tpu.memory_space<hbm>> -> memref<4x128xf32, #tpu.memory_space<hbm>>
        tpu.enqueue_dma source(%arg12 : memref<4x128xf32, #tpu.memory_space<vmem>>) target(%dma_start3A_336 : memref<4x128xf32, #tpu.memory_space<hbm>>) target_semaphore(%run_scoped3A : memref<!tpu.dma_semaphore, #tpu.memory_space<semaphore_mem>>)
        %dma_wait3A_337 = arith.constant 0 : i32
        %dma_wait3A_338 = tpu.memref_slice %arg7[%add3A_14, %dma_wait3A_337] : memref<32768x128xf32, #tpu.memory_space<hbm>> -> memref<4x128xf32, #tpu.memory_space<hbm>>
        %dma_wait3A_339 = arith.constant 0 : i32
        %dma_wait3A_340 = tpu.memref_slice %arg7[%add3A_14, %dma_wait3A_339] : memref<32768x128xf32, #tpu.memory_space<hbm>> -> memref<4x128xf32, #tpu.memory_space<hbm>>
        tpu.wait_dma2 semaphore(%run_scoped3A : memref<!tpu.dma_semaphore, #tpu.memory_space<semaphore_mem>>) src(%arg12 : memref<4x128xf32, #tpu.memory_space<vmem>>) dst(%dma_wait3A_340 : memref<4x128xf32, #tpu.memory_space<hbm>>)
        tpu.yield
      }) : () -> ()
      "tpu.region"() ({
        %run_scoped3A = tpu.sem_alloc : memref<!tpu.dma_semaphore, #tpu.memory_space<semaphore_mem>>
        %dma_start3A_333 = arith.constant 0 : i32
        %dma_start3A_334 = tpu.memref_slice %arg8[%add3A_14, %dma_start3A_333] : memref<32768x128xf32, #tpu.memory_space<hbm>> -> memref<4x128xf32, #tpu.memory_space<hbm>>
        %dma_start3A_335 = arith.constant 0 : i32
        %dma_start3A_336 = tpu.memref_slice %arg8[%add3A_14, %dma_start3A_335] : memref<32768x128xf32, #tpu.memory_space<hbm>> -> memref<4x128xf32, #tpu.memory_space<hbm>>
        tpu.enqueue_dma source(%arg13 : memref<4x128xf32, #tpu.memory_space<vmem>>) target(%dma_start3A_336 : memref<4x128xf32, #tpu.memory_space<hbm>>) target_semaphore(%run_scoped3A : memref<!tpu.dma_semaphore, #tpu.memory_space<semaphore_mem>>)
        %dma_wait3A_337 = arith.constant 0 : i32
        %dma_wait3A_338 = tpu.memref_slice %arg8[%add3A_14, %dma_wait3A_337] : memref<32768x128xf32, #tpu.memory_space<hbm>> -> memref<4x128xf32, #tpu.memory_space<hbm>>
        %dma_wait3A_339 = arith.constant 0 : i32
        %dma_wait3A_340 = tpu.memref_slice %arg8[%add3A_14, %dma_wait3A_339] : memref<32768x128xf32, #tpu.memory_space<hbm>> -> memref<4x128xf32, #tpu.memory_space<hbm>>
        tpu.wait_dma2 semaphore(%run_scoped3A : memref<!tpu.dma_semaphore, #tpu.memory_space<semaphore_mem>>) src(%arg13 : memref<4x128xf32, #tpu.memory_space<vmem>>) dst(%dma_wait3A_340 : memref<4x128xf32, #tpu.memory_space<hbm>>)
        tpu.yield
      }) : () -> ()
      "tpu.region"() ({
        %run_scoped3A = tpu.sem_alloc : memref<!tpu.dma_semaphore, #tpu.memory_space<semaphore_mem>>
        %dma_start3A_333 = arith.constant 0 : i32
        %dma_start3A_334 = tpu.memref_slice %arg9[%add3A_14, %dma_start3A_333] : memref<32768x128xf32, #tpu.memory_space<hbm>> -> memref<4x128xf32, #tpu.memory_space<hbm>>
        %dma_start3A_335 = arith.constant 0 : i32
        %dma_start3A_336 = tpu.memref_slice %arg9[%add3A_14, %dma_start3A_335] : memref<32768x128xf32, #tpu.memory_space<hbm>> -> memref<4x128xf32, #tpu.memory_space<hbm>>
        tpu.enqueue_dma source(%arg14 : memref<4x128xf32, #tpu.memory_space<vmem>>) target(%dma_start3A_336 : memref<4x128xf32, #tpu.memory_space<hbm>>) target_semaphore(%run_scoped3A : memref<!tpu.dma_semaphore, #tpu.memory_space<semaphore_mem>>)
        %dma_wait3A_337 = arith.constant 0 : i32
        %dma_wait3A_338 = tpu.memref_slice %arg9[%add3A_14, %dma_wait3A_337] : memref<32768x128xf32, #tpu.memory_space<hbm>> -> memref<4x128xf32, #tpu.memory_space<hbm>>
        %dma_wait3A_339 = arith.constant 0 : i32
        %dma_wait3A_340 = tpu.memref_slice %arg9[%add3A_14, %dma_wait3A_339] : memref<32768x128xf32, #tpu.memory_space<hbm>> -> memref<4x128xf32, #tpu.memory_space<hbm>>
        tpu.wait_dma2 semaphore(%run_scoped3A : memref<!tpu.dma_semaphore, #tpu.memory_space<semaphore_mem>>) src(%arg14 : memref<4x128xf32, #tpu.memory_space<vmem>>) dst(%dma_wait3A_340 : memref<4x128xf32, #tpu.memory_space<hbm>>)
        tpu.yield
      }) : () -> ()
      "tpu.region"() ({
        %run_scoped3A = tpu.sem_alloc : memref<!tpu.dma_semaphore, #tpu.memory_space<semaphore_mem>>
        %dma_start3A_333 = arith.constant 0 : i32
        %dma_start3A_334 = tpu.memref_slice %arg10[%add3A_14, %dma_start3A_333] : memref<32768x128xf32, #tpu.memory_space<hbm>> -> memref<4x128xf32, #tpu.memory_space<hbm>>
        %dma_start3A_335 = arith.constant 0 : i32
        %dma_start3A_336 = tpu.memref_slice %arg10[%add3A_14, %dma_start3A_335] : memref<32768x128xf32, #tpu.memory_space<hbm>> -> memref<4x128xf32, #tpu.memory_space<hbm>>
        tpu.enqueue_dma source(%arg15 : memref<4x128xf32, #tpu.memory_space<vmem>>) target(%dma_start3A_336 : memref<4x128xf32, #tpu.memory_space<hbm>>) target_semaphore(%run_scoped3A : memref<!tpu.dma_semaphore, #tpu.memory_space<semaphore_mem>>)
        %dma_wait3A_337 = arith.constant 0 : i32
        %dma_wait3A_338 = tpu.memref_slice %arg10[%add3A_14, %dma_wait3A_337] : memref<32768x128xf32, #tpu.memory_space<hbm>> -> memref<4x128xf32, #tpu.memory_space<hbm>>
        %dma_wait3A_339 = arith.constant 0 : i32
        %dma_wait3A_340 = tpu.memref_slice %arg10[%add3A_14, %dma_wait3A_339] : memref<32768x128xf32, #tpu.memory_space<hbm>> -> memref<4x128xf32, #tpu.memory_space<hbm>>
        tpu.wait_dma2 semaphore(%run_scoped3A : memref<!tpu.dma_semaphore, #tpu.memory_space<semaphore_mem>>) src(%arg15 : memref<4x128xf32, #tpu.memory_space<vmem>>) dst(%dma_wait3A_340 : memref<4x128xf32, #tpu.memory_space<hbm>>)
        tpu.yield
      }) : () -> ()
    }
    %scan3A_6 = arith.constant 256 : i32
    return
  }
}

module attributes {stable_mosaic.version = 14 : i64} {
  func.func @_idx_body(%arg0: i32, %arg1: i32, %arg2: memref<1x256x512xf32, #tpu.memory_space<vmem>>, %arg3: memref<1x256x512xf32, #tpu.memory_space<vmem>>, %arg4: memref<1x256x512xi32, #tpu.memory_space<vmem>>) attributes {dimension_semantics = [#tpu.dimension_semantics<arbitrary>, #tpu.dimension_semantics<arbitrary>], iteration_bounds = array<i64: 16, 2>, scalar_prefetch = 0 : i64, scratch_operands = 0 : i64, tpu.core_type = #tpu.core_type<tc>, window_params = [{transform_indices = @transform_0, window_bounds = array<i64: 1, 256, 512>}, {transform_indices = @transform_1, window_bounds = array<i64: 1, 256, 512>}, {transform_indices = @transform_2, window_bounds = array<i64: 1, 256, 512>}]} {
    %mul3A = arith.constant 256 : i32
    %mul3A_0 = arith.muli %arg1, %mul3A : i32
    %get3A = arith.constant 0 : index
    %get3A_1 = arith.constant 0 : index
    %get3A_2 = arith.constant 0 : index
    %get3A_3 = vector.load %arg2[%get3A, %get3A_1, %get3A_2] : memref<1x256x512xf32, #tpu.memory_space<vmem>>, vector<1x256x512xf32>
    %get3A_4 = vector.shape_cast %get3A_3 : vector<1x256x512xf32> to vector<256x512xf32>
    %get3A_5 = arith.constant 0 : index
    %get3A_6 = arith.constant 0 : index
    %get3A_7 = arith.constant 0 : index
    %get3A_8 = vector.load %arg3[%get3A_5, %get3A_6, %get3A_7] : memref<1x256x512xf32, #tpu.memory_space<vmem>>, vector<1x256x512xf32>
    %get3A_9 = vector.shape_cast %get3A_8 : vector<1x256x512xf32> to vector<256x512xf32>
    %iota3A = tpu.iota {dimensions = array<i32: 0>} : vector<256x512xi32>
    %convert_element_type3A = arith.sitofp %iota3A : vector<256x512xi32> to vector<256x512xf32>
    %iota3A_10 = tpu.iota {dimensions = array<i32: 1>} : vector<256x512xi32>
    %convert_element_type3A_11 = arith.sitofp %iota3A_10 : vector<256x512xi32> to vector<256x512xf32>
    %convert_element_type3A_12 = arith.sitofp %mul3A_0 : i32 to f32
    %add3A = vector.broadcast %convert_element_type3A_12 : f32 to vector<256x512xf32>
    %add3A_13 = arith.addf %convert_element_type3A, %add3A : vector<256x512xf32>
    %mul3A_14 = arith.constant 0.0039138943 : f32
    %mul3A_15 = vector.broadcast %mul3A_14 : f32 to vector<256x512xf32>
    %mul3A_16 = arith.mulf %add3A_13, %mul3A_15 : vector<256x512xf32>
    %sub3A = arith.constant 1.000000e+00 : f32
    %sub3A_17 = vector.broadcast %sub3A : f32 to vector<256x512xf32>
    %sub3A_18 = arith.subf %mul3A_16, %sub3A_17 : vector<256x512xf32>
    %mul3A_19 = arith.constant 0.0039138943 : f32
    %mul3A_20 = vector.broadcast %mul3A_19 : f32 to vector<256x512xf32>
    %mul3A_21 = arith.mulf %convert_element_type3A_11, %mul3A_20 : vector<256x512xf32>
    %sub3A_22 = arith.constant 1.000000e+00 : f32
    %sub3A_23 = vector.broadcast %sub3A_22 : f32 to vector<256x512xf32>
    %sub3A_24 = arith.subf %mul3A_21, %sub3A_23 : vector<256x512xf32>
    %sub3A_25 = arith.subf %sub3A_18, %get3A_4 : vector<256x512xf32>
    %add3A_26 = arith.constant 1.000000e+00 : f32
    %add3A_27 = vector.broadcast %add3A_26 : f32 to vector<256x512xf32>
    %add3A_28 = arith.addf %sub3A_25, %add3A_27 : vector<256x512xf32>
    %mul3A_29 = arith.constant 5.000000e-01 : f32
    %mul3A_30 = vector.broadcast %mul3A_29 : f32 to vector<256x512xf32>
    %mul3A_31 = arith.mulf %mul3A_30, %add3A_28 : vector<256x512xf32>
    %mul3A_32 = arith.constant 5.110000e+02 : f32
    %mul3A_33 = vector.broadcast %mul3A_32 : f32 to vector<256x512xf32>
    %mul3A_34 = arith.mulf %mul3A_31, %mul3A_33 : vector<256x512xf32>
    %sub3A_35 = arith.subf %sub3A_24, %get3A_9 : vector<256x512xf32>
    %add3A_36 = arith.constant 1.000000e+00 : f32
    %add3A_37 = vector.broadcast %add3A_36 : f32 to vector<256x512xf32>
    %add3A_38 = arith.addf %sub3A_35, %add3A_37 : vector<256x512xf32>
    %mul3A_39 = arith.constant 5.000000e-01 : f32
    %mul3A_40 = vector.broadcast %mul3A_39 : f32 to vector<256x512xf32>
    %mul3A_41 = arith.mulf %mul3A_40, %add3A_38 : vector<256x512xf32>
    %mul3A_42 = arith.constant 5.110000e+02 : f32
    %mul3A_43 = vector.broadcast %mul3A_42 : f32 to vector<256x512xf32>
    %mul3A_44 = arith.mulf %mul3A_41, %mul3A_43 : vector<256x512xf32>
    %lt3A = arith.constant 0.000000e+00 : f32
    %lt3A_45 = vector.broadcast %lt3A : f32 to vector<256x512xf32>
    %lt3A_46 = arith.cmpf olt, %mul3A_34, %lt3A_45 : vector<256x512xf32>
    %floor3A = math.floor %mul3A_34 : vector<256x512xf32>
    %convert_element_type3A_47 = arith.fptosi %floor3A : vector<256x512xf32> to vector<256x512xi32>
    %min3A = arith.constant 512 : i32
    %min3A_48 = vector.broadcast %min3A : i32 to vector<256x512xi32>
    %min3A_49 = arith.minsi %convert_element_type3A_47, %min3A_48 : vector<256x512xi32>
    %jit3A = arith.constant 512 : i32
    %broadcast_in_dim3A = vector.broadcast %jit3A : i32 to vector<256x512xi32>
    %select_n3A = arith.select %lt3A_46, %broadcast_in_dim3A, %min3A_49 : vector<256x512xi1>, vector<256x512xi32>
    %lt3A_50 = arith.constant 0.000000e+00 : f32
    %lt3A_51 = vector.broadcast %lt3A_50 : f32 to vector<256x512xf32>
    %lt3A_52 = arith.cmpf olt, %mul3A_44, %lt3A_51 : vector<256x512xf32>
    %floor3A_53 = math.floor %mul3A_44 : vector<256x512xf32>
    %convert_element_type3A_54 = arith.fptosi %floor3A_53 : vector<256x512xf32> to vector<256x512xi32>
    %min3A_55 = arith.constant 512 : i32
    %min3A_56 = vector.broadcast %min3A_55 : i32 to vector<256x512xi32>
    %min3A_57 = arith.minsi %convert_element_type3A_54, %min3A_56 : vector<256x512xi32>
    %jit3A_58 = arith.constant 512 : i32
    %broadcast_in_dim3A_59 = vector.broadcast %jit3A_58 : i32 to vector<256x512xi32>
    %select_n3A_60 = arith.select %lt3A_52, %broadcast_in_dim3A_59, %min3A_57 : vector<256x512xi1>, vector<256x512xi32>
    %mul3A_61 = arith.constant 264196 : i32
    %mul3A_62 = arith.muli %arg0, %mul3A_61 : i32
    %mul3A_63 = arith.constant 514 : i32
    %mul3A_64 = vector.broadcast %mul3A_63 : i32 to vector<256x512xi32>
    %mul3A_65 = arith.muli %select_n3A, %mul3A_64 : vector<256x512xi32>
    %add3A_66 = vector.broadcast %mul3A_62 : i32 to vector<256x512xi32>
    %add3A_67 = arith.addi %add3A_66, %mul3A_65 : vector<256x512xi32>
    %add3A_68 = arith.addi %add3A_67, %select_n3A_60 : vector<256x512xi32>
    %swap3A = arith.constant 0 : index
    %swap3A_69 = arith.constant 0 : index
    %swap3A_70 = arith.constant 0 : index
    %swap3A_71 = vector.load %arg4[%swap3A, %swap3A_69, %swap3A_70] : memref<1x256x512xi32, #tpu.memory_space<vmem>>, vector<1x256x512xi32>
    %swap3A_72 = vector.shape_cast %swap3A_71 : vector<1x256x512xi32> to vector<256x512xi32>
    %swap3A_73 = vector.shape_cast %add3A_68 : vector<256x512xi32> to vector<1x256x512xi32>
    tpu.vector_store %arg4[%swap3A, %swap3A_69, %swap3A_70], %swap3A_73 {strides = array<i32>} : memref<1x256x512xi32, #tpu.memory_space<vmem>>, vector<1x256x512xi32>,
    return
  }
  func.func @transform_0(%arg0: i32, %arg1: i32) -> (i32, i32, i32) {
    %c0_i32 = arith.constant 0 : i32
    %c0_i32_0 = arith.constant 0 : i32
    return %arg0, %arg1, %c0_i32 : i32, i32, i32
  }
  func.func @transform_1(%arg0: i32, %arg1: i32) -> (i32, i32, i32) {
    %c0_i32 = arith.constant 0 : i32
    %c0_i32_0 = arith.constant 0 : i32
    return %arg0, %arg1, %c0_i32 : i32, i32, i32
  }
  func.func @transform_2(%arg0: i32, %arg1: i32) -> (i32, i32, i32) {
    %c0_i32 = arith.constant 0 : i32
    %c0_i32_0 = arith.constant 0 : i32
    return %arg0, %arg1, %c0_i32 : i32, i32, i32
  }
}

module attributes {stable_mosaic.version = 14 : i64} {
  func.func @_combine_body(%arg0: i32, %arg1: i32, %arg2: memref<1x256x512xf32, #tpu.memory_space<vmem>>, %arg3: memref<1x256x512xf32, #tpu.memory_space<vmem>>, %arg4: memref<1x256x512xf32, #tpu.memory_space<vmem>>, %arg5: memref<1x256x512xf32, #tpu.memory_space<vmem>>, %arg6: memref<1x256x512xf32, #tpu.memory_space<vmem>>, %arg7: memref<1x256x512xf32, #tpu.memory_space<vmem>>, %arg8: memref<1x256x512xf32, #tpu.memory_space<vmem>>) attributes {dimension_semantics = [#tpu.dimension_semantics<arbitrary>, #tpu.dimension_semantics<arbitrary>], iteration_bounds = array<i64: 16, 2>, scalar_prefetch = 0 : i64, scratch_operands = 0 : i64, tpu.core_type = #tpu.core_type<tc>, window_params = [{transform_indices = @transform_0, window_bounds = array<i64: 1, 256, 512>}, {transform_indices = @transform_1, window_bounds = array<i64: 1, 256, 512>}, {transform_indices = @transform_2, window_bounds = array<i64: 1, 256, 512>}, {transform_indices = @transform_3, window_bounds = array<i64: 1, 256, 512>}, {transform_indices = @transform_4, window_bounds = array<i64: 1, 256, 512>}, {transform_indices = @transform_5, window_bounds = array<i64: 1, 256, 512>}, {transform_indices = @transform_6, window_bounds = array<i64: 1, 256, 512>}]} {
    %mul3A = arith.constant 256 : i32
    %mul3A_0 = arith.muli %arg1, %mul3A : i32
    %get3A = arith.constant 0 : index
    %get3A_1 = arith.constant 0 : index
    %get3A_2 = arith.constant 0 : index
    %get3A_3 = vector.load %arg2[%get3A, %get3A_1, %get3A_2] : memref<1x256x512xf32, #tpu.memory_space<vmem>>, vector<1x256x512xf32>
    %get3A_4 = vector.shape_cast %get3A_3 : vector<1x256x512xf32> to vector<256x512xf32>
    %get3A_5 = arith.constant 0 : index
    %get3A_6 = arith.constant 0 : index
    %get3A_7 = arith.constant 0 : index
    %get3A_8 = vector.load %arg3[%get3A_5, %get3A_6, %get3A_7] : memref<1x256x512xf32, #tpu.memory_space<vmem>>, vector<1x256x512xf32>
    %get3A_9 = vector.shape_cast %get3A_8 : vector<1x256x512xf32> to vector<256x512xf32>
    %iota3A = tpu.iota {dimensions = array<i32: 0>} : vector<256x512xi32>
    %convert_element_type3A = arith.sitofp %iota3A : vector<256x512xi32> to vector<256x512xf32>
    %iota3A_10 = tpu.iota {dimensions = array<i32: 1>} : vector<256x512xi32>
    %convert_element_type3A_11 = arith.sitofp %iota3A_10 : vector<256x512xi32> to vector<256x512xf32>
    %convert_element_type3A_12 = arith.sitofp %mul3A_0 : i32 to f32
    %add3A = vector.broadcast %convert_element_type3A_12 : f32 to vector<256x512xf32>
    %add3A_13 = arith.addf %convert_element_type3A, %add3A : vector<256x512xf32>
    %mul3A_14 = arith.constant 0.0039138943 : f32
    %mul3A_15 = vector.broadcast %mul3A_14 : f32 to vector<256x512xf32>
    %mul3A_16 = arith.mulf %add3A_13, %mul3A_15 : vector<256x512xf32>
    %sub3A = arith.constant 1.000000e+00 : f32
    %sub3A_17 = vector.broadcast %sub3A : f32 to vector<256x512xf32>
    %sub3A_18 = arith.subf %mul3A_16, %sub3A_17 : vector<256x512xf32>
    %mul3A_19 = arith.constant 0.0039138943 : f32
    %mul3A_20 = vector.broadcast %mul3A_19 : f32 to vector<256x512xf32>
    %mul3A_21 = arith.mulf %convert_element_type3A_11, %mul3A_20 : vector<256x512xf32>
    %sub3A_22 = arith.constant 1.000000e+00 : f32
    %sub3A_23 = vector.broadcast %sub3A_22 : f32 to vector<256x512xf32>
    %sub3A_24 = arith.subf %mul3A_21, %sub3A_23 : vector<256x512xf32>
    %sub3A_25 = arith.subf %sub3A_18, %get3A_4 : vector<256x512xf32>
    %add3A_26 = arith.constant 1.000000e+00 : f32
    %add3A_27 = vector.broadcast %add3A_26 : f32 to vector<256x512xf32>
    %add3A_28 = arith.addf %sub3A_25, %add3A_27 : vector<256x512xf32>
    %mul3A_29 = arith.constant 5.000000e-01 : f32
    %mul3A_30 = vector.broadcast %mul3A_29 : f32 to vector<256x512xf32>
    %mul3A_31 = arith.mulf %mul3A_30, %add3A_28 : vector<256x512xf32>
    %mul3A_32 = arith.constant 5.110000e+02 : f32
    %mul3A_33 = vector.broadcast %mul3A_32 : f32 to vector<256x512xf32>
    %mul3A_34 = arith.mulf %mul3A_31, %mul3A_33 : vector<256x512xf32>
    %sub3A_35 = arith.subf %sub3A_24, %get3A_9 : vector<256x512xf32>
    %add3A_36 = arith.constant 1.000000e+00 : f32
    %add3A_37 = vector.broadcast %add3A_36 : f32 to vector<256x512xf32>
    %add3A_38 = arith.addf %sub3A_35, %add3A_37 : vector<256x512xf32>
    %mul3A_39 = arith.constant 5.000000e-01 : f32
    %mul3A_40 = vector.broadcast %mul3A_39 : f32 to vector<256x512xf32>
    %mul3A_41 = arith.mulf %mul3A_40, %add3A_38 : vector<256x512xf32>
    %mul3A_42 = arith.constant 5.110000e+02 : f32
    %mul3A_43 = vector.broadcast %mul3A_42 : f32 to vector<256x512xf32>
    %mul3A_44 = arith.mulf %mul3A_41, %mul3A_43 : vector<256x512xf32>
    %floor3A = math.floor %mul3A_34 : vector<256x512xf32>
    %convert_element_type3A_45 = arith.fptosi %floor3A : vector<256x512xf32> to vector<256x512xi32>
    %jit3A = arith.constant 0 : i32
    %jit3A_46 = arith.constant 512 : i32
    %max3A = vector.broadcast %jit3A : i32 to vector<256x512xi32>
    %max3A_47 = arith.maxsi %max3A, %convert_element_type3A_45 : vector<256x512xi32>
    %min3A = vector.broadcast %jit3A_46 : i32 to vector<256x512xi32>
    %min3A_48 = arith.minsi %min3A, %max3A_47 : vector<256x512xi32>
    %floor3A_49 = math.floor %mul3A_44 : vector<256x512xf32>
    %convert_element_type3A_50 = arith.fptosi %floor3A_49 : vector<256x512xf32> to vector<256x512xi32>
    %jit3A_51 = arith.constant 0 : i32
    %jit3A_52 = arith.constant 512 : i32
    %max3A_53 = vector.broadcast %jit3A_51 : i32 to vector<256x512xi32>
    %max3A_54 = arith.maxsi %max3A_53, %convert_element_type3A_50 : vector<256x512xi32>
    %min3A_55 = vector.broadcast %jit3A_52 : i32 to vector<256x512xi32>
    %min3A_56 = arith.minsi %min3A_55, %max3A_54 : vector<256x512xi32>
    %add3A_57 = arith.constant 1 : i32
    %add3A_58 = vector.broadcast %add3A_57 : i32 to vector<256x512xi32>
    %add3A_59 = arith.addi %min3A_48, %add3A_58 : vector<256x512xi32>
    %min3A_60 = arith.constant 512 : i32
    %min3A_61 = vector.broadcast %min3A_60 : i32 to vector<256x512xi32>
    %min3A_62 = arith.minsi %add3A_59, %min3A_61 : vector<256x512xi32>
    %add3A_63 = arith.constant 1 : i32
    %add3A_64 = vector.broadcast %add3A_63 : i32 to vector<256x512xi32>
    %add3A_65 = arith.addi %min3A_56, %add3A_64 : vector<256x512xi32>
    %min3A_66 = arith.constant 512 : i32
    %min3A_67 = vector.broadcast %min3A_66 : i32 to vector<256x512xi32>
    %min3A_68 = arith.minsi %add3A_65, %min3A_67 : vector<256x512xi32>
    %convert_element_type3A_69 = arith.sitofp %min3A_62 : vector<256x512xi32> to vector<256x512xf32>
    %sub3A_70 = arith.subf %convert_element_type3A_69, %mul3A_34 : vector<256x512xf32>
    %convert_element_type3A_71 = arith.sitofp %min3A_48 : vector<256x512xi32> to vector<256x512xf32>
    %sub3A_72 = arith.subf %mul3A_34, %convert_element_type3A_71 : vector<256x512xf32>
    %convert_element_type3A_73 = arith.sitofp %min3A_68 : vector<256x512xi32> to vector<256x512xf32>
    %sub3A_74 = arith.subf %convert_element_type3A_73, %mul3A_44 : vector<256x512xf32>
    %convert_element_type3A_75 = arith.sitofp %min3A_56 : vector<256x512xi32> to vector<256x512xf32>
    %sub3A_76 = arith.subf %mul3A_44, %convert_element_type3A_75 : vector<256x512xf32>
    %mul3A_77 = arith.mulf %sub3A_70, %sub3A_74 : vector<256x512xf32>
    %get3A_78 = arith.constant 0 : index
    %get3A_79 = arith.constant 0 : index
    %get3A_80 = arith.constant 0 : index
    %get3A_81 = vector.load %arg4[%get3A_78, %get3A_79, %get3A_80] : memref<1x256x512xf32, #tpu.memory_space<vmem>>, vector<1x256x512xf32>
    %get3A_82 = vector.shape_cast %get3A_81 : vector<1x256x512xf32> to vector<256x512xf32>
    %mul3A_83 = arith.mulf %mul3A_77, %get3A_82 : vector<256x512xf32>
    %mul3A_84 = arith.mulf %sub3A_70, %sub3A_76 : vector<256x512xf32>
    %get3A_85 = arith.constant 0 : index
    %get3A_86 = arith.constant 0 : index
    %get3A_87 = arith.constant 0 : index
    %get3A_88 = vector.load %arg5[%get3A_85, %get3A_86, %get3A_87] : memref<1x256x512xf32, #tpu.memory_space<vmem>>, vector<1x256x512xf32>
    %get3A_89 = vector.shape_cast %get3A_88 : vector<1x256x512xf32> to vector<256x512xf32>
    %mul3A_90 = arith.mulf %mul3A_84, %get3A_89 : vector<256x512xf32>
    %add3A_91 = arith.addf %mul3A_83, %mul3A_90 : vector<256x512xf32>
    %mul3A_92 = arith.mulf %sub3A_72, %sub3A_74 : vector<256x512xf32>
    %get3A_93 = arith.constant 0 : index
    %get3A_94 = arith.constant 0 : index
    %get3A_95 = arith.constant 0 : index
    %get3A_96 = vector.load %arg6[%get3A_93, %get3A_94, %get3A_95] : memref<1x256x512xf32, #tpu.memory_space<vmem>>, vector<1x256x512xf32>
    %get3A_97 = vector.shape_cast %get3A_96 : vector<1x256x512xf32> to vector<256x512xf32>
    %mul3A_98 = arith.mulf %mul3A_92, %get3A_97 : vector<256x512xf32>
    %add3A_99 = arith.addf %add3A_91, %mul3A_98 : vector<256x512xf32>
    %mul3A_100 = arith.mulf %sub3A_72, %sub3A_76 : vector<256x512xf32>
    %get3A_101 = arith.constant 0 : index
    %get3A_102 = arith.constant 0 : index
    %get3A_103 = arith.constant 0 : index
    %get3A_104 = vector.load %arg7[%get3A_101, %get3A_102, %get3A_103] : memref<1x256x512xf32, #tpu.memory_space<vmem>>, vector<1x256x512xf32>
    %get3A_105 = vector.shape_cast %get3A_104 : vector<1x256x512xf32> to vector<256x512xf32>
    %mul3A_106 = arith.mulf %mul3A_100, %get3A_105 : vector<256x512xf32>
    %add3A_107 = arith.addf %add3A_99, %mul3A_106 : vector<256x512xf32>
    %swap3A = arith.constant 0 : index
    %swap3A_108 = arith.constant 0 : index
    %swap3A_109 = arith.constant 0 : index
    %swap3A_110 = vector.load %arg8[%swap3A, %swap3A_108, %swap3A_109] : memref<1x256x512xf32, #tpu.memory_space<vmem>>, vector<1x256x512xf32>
    %swap3A_111 = vector.shape_cast %swap3A_110 : vector<1x256x512xf32> to vector<256x512xf32>
    %swap3A_112 = vector.shape_cast %add3A_107 : vector<256x512xf32> to vector<1x256x512xf32>
    tpu.vector_store %arg8[%swap3A, %swap3A_108, %swap3A_109], %swap3A_112 {strides = array<i32>} : memref<1x256x512xf32, #tpu.memory_space<vmem>>, vector<1x256x512xf32>,
    return
  }
  func.func @transform_0(%arg0: i32, %arg1: i32) -> (i32, i32, i32) {
    %c0_i32 = arith.constant 0 : i32
    %c0_i32_0 = arith.constant 0 : i32
    return %arg0, %arg1, %c0_i32 : i32, i32, i32
  }
  func.func @transform_1(%arg0: i32, %arg1: i32) -> (i32, i32, i32) {
    %c0_i32 = arith.constant 0 : i32
    %c0_i32_0 = arith.constant 0 : i32
    return %arg0, %arg1, %c0_i32 : i32, i32, i32
  }
  func.func @transform_2(%arg0: i32, %arg1: i32) -> (i32, i32, i32) {
    %c0_i32 = arith.constant 0 : i32
    %c0_i32_0 = arith.constant 0 : i32
    return %arg0, %arg1, %c0_i32 : i32, i32, i32
  }
  func.func @transform_3(%arg0: i32, %arg1: i32) -> (i32, i32, i32) {
    %c0_i32 = arith.constant 0 : i32
    %c0_i32_0 = arith.constant 0 : i32
    return %arg0, %arg1, %c0_i32 : i32, i32, i32
  }
  func.func @transform_4(%arg0: i32, %arg1: i32) -> (i32, i32, i32) {
    %c0_i32 = arith.constant 0 : i32
    %c0_i32_0 = arith.constant 0 : i32
    return %arg0, %arg1, %c0_i32 : i32, i32, i32
  }
  func.func @transform_5(%arg0: i32, %arg1: i32) -> (i32, i32, i32) {
    %c0_i32 = arith.constant 0 : i32
    %c0_i32_0 = arith.constant 0 : i32
    return %arg0, %arg1, %c0_i32 : i32, i32, i32
  }
  func.func @transform_6(%arg0: i32, %arg1: i32) -> (i32, i32, i32) {
    %c0_i32 = arith.constant 0 : i32
    %c0_i32_0 = arith.constant 0 : i32
    return %arg0, %arg1, %c0_i32 : i32, i32, i32
  }
}

</mosaic_0001>

<sc_bundles>
// kernel: kernel.5.cloned.1.call-start
scs
__scs_entry_jumppad:
0x0: {  	(pc) =	sbr.rel $0x88, $3  }
0x1: {  	(tag) =	ssettag $0x0;
	lr =	simm.s32 $0x1  }
0x2: {  	[smem:$0x3F9F] =	sst lr;
	_ =	strace $0xD0000000  }
0x3: {  	_ = 	snop  }
0x4: {  	_ = 	snop  }
0x5: {  	_ = 	snop  }
0x6: {  	_ = 	snop  }
0x7: {  	_ = 	snop  }
__scs_overlays_trampoline_lowered:
0x8: {  	[smem:$0x3FAE] =	sst s0  }
0x9: {  	[smem:$0x3FAF] =	sst s1  }
0xa: {  	[smem:$0x3FB0] =	sst s2  }
0xb: {  	[smem:$0x3FB1] =	sst s3  }
0xc: {  	[smem:$0x3FB2] =	sst s4  }
0xd: {  	[smem:$0x3FB3] =	sst s5  }
0xe: {  	[smem:$0x3FB4] =	sst s6  }
0xf: {  	[smem:$0x3FB5] =	sst s7  }
0x10: {  	[smem:$0x3FB6] =	sst s8  }
0x11: {  	[smem:$0x3FB7] =	sst s9;
	s0 =	simm.s32 @!p0 $0x0  }
0x12: {  	s1 =	sld [smem:$0x3F9D];
	s0 =	simm.s32 @p0 $0x1  }
0x13: {  	[smem:$0x3FB8] =	sst s0;
	s0 =	simm.s32 @!p1 $0x0  }
0x14: {  	s2 =	sld [smem:$0x3F9C];
	s0 =	simm.s32 @p1 $0x1  }
0x15: {  	[smem:$0x3FB9] =	sst s0;
	s0 =	simm.s32 @!p2 $0x0  }
0x16: {  	s3 =	sld [smem:$0x3FDB];
	s0 =	simm.s32 @p2 $0x1  }
0x17: {  	s4 =	simm.s32 $0x1BF5;
	[smem:$0x3FBB] =	sst s0  }
0x18: {  	s0 =	sld [smem:$0x3F9E];
	_ =	swait.ge [sflag:s4], $0x0  }
0x19: {  	s7 =	sld [smem:$0x3F9F]  }
0x1a: {  	s8 =	sadd.s32 $0xFFFFE003, lr  }
0x1b: {  	s9 =	sadd.s32 $0xFFFFFEF7, lr;
	s5 =	simm.s32 $0xFFFFFFFF;
	p2 =	slt.u32 s8, $0xFFFFF086  }
0x1c: {  	p1 =	slt.u32 s9, $0xF7A;
	s5 =	simm.s32 @!p2 $0x0  }
0x1d: {  	s5 =	simm.s32 @p1 $0x1;
	p0 =	seq.s32 s7, s2  }
0x1e: {  	s7 =	smul.u32 @!p0 $0xF7A, s2;
	p2 =	seq.s32 @!p0 s5, $0x0  }
0x1f: {  	s9 =	smul.u32 $0xF7A, s1;
	s8 =	simm.s32 @!p0 $0x1BF5;
	p2 =	por !p2, p0  }
0x20: {  	[sflag:s8] =	ssyncset.s32 @!p0 $0xFFFFF086;
	s6 =	sadd.s32 @!p0 s3, s7;
	s7 =	simm.s32 @!p0 $0x108  }
0x21: {  	s3 =	sadd.s32 s3, s9;
	s6 =	sadd.s32 @!p0 $0x88, s6;
	s7 =	simm.s32 @p2 $0x1082  }
0x22: {  	[simem:s7], [sflag:s8] =	dma.local @!p0 [hbm:s6], $0xF7A  }
0x23: {  	s9 =	sor.u32 $0xD0000000, s2;
	s6 =	simm.s32 $0x108;
	_ =	swait.ge @!p0 [sflag:s8], $0x0  }
0x24: {  	s3 =	sadd.s32 $0x88, s3;
	s6 =	simm.s32 @!p1 $0x1082;
	[sflag:s4] =	ssyncset.s32 $0xFFFFF086  }
0x25: {  	[simem:s6], [sflag:s4] =	dma.local [hbm:s3], $0xF7A  }
0x26: {  	[smem:$0x3F9F] =	sst s1;
	(tag) =	ssettag s2;
	_ =	strace s9  }
0x27: {  	s1 =	sld [smem:$0x3FAF]  }
0x28: {  	s2 =	sld [smem:$0x3FB0]  }
0x29: {  	s4 =	sld [smem:$0x3FB2]  }
0x2a: {  	p0 =	seq.s32 s5, $0x0;
	s5 =	sld [smem:$0x3FB3]  }
0x2b: {  	s6 =	sld [smem:$0x3FB4]  }
0x2c: {  	s7 =	sld [smem:$0x3FB5]  }
0x2d: {  	s3 =	simm.s32 $0x108;
	s8 =	sld [smem:$0x3FB6]  }
0x2e: {  	s3 =	simm.s32 @!p0 $0x1082;
	s9 =	sld [smem:$0x3FB7]  }
0x2f: {  	lr =	sadd.s32 s0, s3;
	s0 =	sld [smem:$0x3FAE]  }
0x30: {  	s3 =	sld [smem:$0x3FB1]  }
0x31: {  	[smem:$0x3FBA] =	sst s10  }
0x32: {  	s10 =	sld [smem:$0x3FB8];
	_ =	sdelay $0x3  }
0x33: {  	p0 =	seq.s32 s10, $0x1;
	s10 =	sld [smem:$0x3FBA];
	_ =	sdelay $0x3  }
0x34: {  	[smem:$0x3FBA] =	sst s10  }
0x35: {  	s10 =	sld [smem:$0x3FB9];
	_ =	sdelay $0x3  }
0x36: {  	p1 =	seq.s32 s10, $0x1;
	s10 =	sld [smem:$0x3FBA];
	_ =	sdelay $0x3  }
0x37: {  	[smem:$0x3FBA] =	sst s10  }
0x38: {  	s10 =	sld [smem:$0x3FBB]  }
0x39: {  	_ = 	snop;
	(pc) =	sbr.ind lr, $3  }
0x3a: {  	_ = 	snop  }
0x3b: {  	_ = 	snop  }
0x3c: {  	p2 =	seq.s32 s10, $0x1;
	s10 =	sld [smem:$0x3FBA]  }
0x3d: {  	_ =	shalt  }
0x3e: {  	_ =	shalt  }
0x3f: {  	_ =	shalt  }
0x40: {  	_ =	shalt  }
0x41: {  	_ =	shalt  }
0x42: {  	_ =	shalt  }
0x43: {  	_ =	shalt  }
0x44: {  	_ =	shalt  }
0x45: {  	_ =	shalt  }
0x46: {  	_ =	shalt  }
0x47: {  	_ =	shalt  }
0x48: {  	_ =	shalt  }
0x49: {  	_ =	shalt  }
0x4a: {  	_ =	shalt  }
0x4b: {  	_ =	shalt  }
0x4c: {  	_ =	shalt  }
0x4d: {  	_ =	shalt  }
0x4e: {  	_ =	shalt  }
0x4f: {  	_ =	shalt  }
0x50: {  	_ =	shalt  }
0x51: {  	_ =	shalt  }
0x52: {  	_ =	shalt  }
0x53: {  	_ =	shalt  }
0x54: {  	_ =	shalt  }
0x55: {  	_ =	shalt  }
0x56: {  	_ =	shalt  }
0x57: {  	_ =	shalt  }
0x58: {  	_ =	shalt  }
0x59: {  	_ =	shalt  }
0x5a: {  	_ =	shalt  }
0x5b: {  	_ =	shalt  }
0x5c: {  	_ =	shalt  }
0x5d: {  	_ =	shalt  }
0x5e: {  	_ =	shalt  }
0x5f: {  	_ =	shalt  }
0x60: {  	_ =	shalt  }
0x61: {  	_ =	shalt  }
0x62: {  	_ =	shalt  }
0x63: {  	_ =	shalt  }
0x64: {  	_ =	shalt  }
0x65: {  	_ =	shalt  }
0x66: {  	_ =	shalt  }
0x67: {  	_ =	shalt  }
0x68: {  	_ =	shalt  }
0x69: {  	_ =	shalt  }
0x6a: {  	_ =	shalt  }
0x6b: {  	_ =	shalt  }
0x6c: {  	_ =	shalt  }
0x6d: {  	_ =	shalt  }
0x6e: {  	_ =	shalt  }
0x6f: {  	_ =	shalt  }
0x70: {  	_ =	shalt  }
0x71: {  	_ =	shalt  }
0x72: {  	_ =	shalt  }
0x73: {  	_ =	shalt  }
0x74: {  	_ =	shalt  }
0x75: {  	_ =	shalt  }
0x76: {  	_ =	shalt  }
0x77: {  	_ =	shalt  }
0x78: {  	_ =	shalt  }
0x79: {  	_ =	shalt  }
0x7a: {  	_ =	shalt  }
0x7b: {  	_ =	shalt  }
0x7c: {  	_ =	shalt  }
0x7d: {  	_ =	shalt  }
0x7e: {  	_ =	shalt  }
0x7f: {  	_ =	shalt  }
0x80: {  	_ =	shalt  }
0x81: {  	_ =	shalt  }
0x82: {  	_ =	shalt  }
0x83: {  	_ =	shalt  }
0x84: {  	_ =	shalt  }
0x85: {  	_ =	shalt  }
0x86: {  	_ =	shalt  }
0x87: {  	_ =	shalt  }
.Lfunc_end0:
.L_simem_size_0:
called_computation_lowered:
.L_overlay_start_0:
0x88: {  	s2 =	sld [smem:$0x3FD9]  }
0x89: {  	s3 =	sld [smem:$0x3FFE];
	_ =	sdelay $0x1  }
0x8a: {  	s1 =	srdreg.scid  }
0x8b: {  	s0 =	sand.u32 $0x1, s1  }
0x8c: {  	s17 =	sshll.u32 s0, $0xA;
	s2 =	sadd.s32 s3, s2  }
0x8d: {  	s2 =	sadd.s32 s2, s17  }
0x8e: {  	[smem:$0x3FC6] =	sst s2  }
0x8f: {  	_ = 	snop  }
0x90: {  	s2 =	sld [smem:$0x3FD0];
	(tm) =	ssettm $0x1  }
0x91: {  	s18 =	sld [smem:$0x3FFB];
	_ =	sdelay $0x3  }
0x92: {  	_ =	strace s18  }
0x93: {  	s3 =	sld [smem:$0x3FFC];
	_ =	sdelay $0x3  }
0x94: {  	_ =	strace s3  }
0x95: {  	s3 =	sld [smem:$0x3FFD];
	_ =	sdelay $0x3  }
0x96: {  	_ =	strace s3  }
0x97: {  	_ =	strace $0x8FFFFFFF  }
0x98: {  	s19 =	sld [smem:$0x3FDB];
	_ =	sdelay $0x1  }
0x99: {  	s4 =	simm.s32 $_scs_section_size  }
0x9a: {  	s5 =	simm.s32 $_size__tile_overlayer_lowered;
	s6 =	simm.s32 $_tile_overlayer_lowered  }
0x9b: {  	s22 =	simm.s32 $0x1BFF;
	s21 =	sshll.u32 s6, $0x1;
	s3 =	sadd.s32 s4, s19  }
0x9c: {  	s7 =	simm.s32 $0x0;
	s20 =	sshll.u32 s5, $0x1;
	s5 =	sadd.s32 s21, s3  }
0x9d: {  	[timem:s7], [sflag:s22] =	dma.local [hbm:s5], s20  }
0x9e: {  	_ =	swait.ge [sflag:s22], s20  }
0x9f: {  	s4 =	ssub.s32 $0x0, s20;
	[sflag:s22] =	ssyncset.done $0x0  }
0xa0: {  	[sflag:s22] =	ssyncadd.s32 s4;
	_ =	sdelay $0x1  }
0xa1: {  	s23 =	simm.s32 $0x1B8B  }
0xa2: {  	_ =	swait.ge [sflag:s23], $0x1  }
0xa3: {  	[sflag:s23] =	ssyncset.done $0x0  }
0xa4: {  	s25 =	simm.s32 $0x1B8E;
	s24 =	sld [smem:$0x3FFE];
	[sflag:s23] =	ssyncadd.s32 $0xFFFFFFFF  }
0xa5: {  	s26 =	simm.s32 $execute0_lowered;
	[smem:$0x3FD2] =	sst s25  }
0xa6: {  	s5 =	sshll.u32 s26, $0x1;
	_ =	strace $0x80000046;
	[dreg:$0x1] =	wrdreg $0xFFFFFFFF  }
0xa7: {  	s28 =	simm.s32 $_size_execute0_lowered;
	s3 =	sadd.s32 s3, s5;
	[dreg:$0x0] =	wrdreg $0x0  }
0xa8: {  	s5 =	sshll.u32 s28, $0x1;
	[dreg:$0x2] =	wrdreg s3  }
0xa9: {  	[dreg:$0x3] =	wrdreg s5  }
0xaa: {  	[dreg:$0x4] =	wrdreg $0xC0  }
0xab: {  	_ =	task [dreg:s7], $0x5FFFF  }
0xac: {  	[dreg:$0x1] =	wrdreg $0xFFFFFFFF  }
0xad: {  	[dreg:$0x0] =	wrdreg $0x60  }
0xae: {  	[dreg:$0x2] =	wrdreg s24  }
0xaf: {  	[dreg:$0x3] =	wrdreg s2  }
0xb0: {  	[dreg:$0x4] =	wrdreg $0x9  }
0xb1: {  	_ =	task.clear_ibuf [dreg:s7], $0x5FFFF;
	_ =	strace $0x90000046  }
0xb2: {  	s29 =	simm.s32 $0x9;
	_ =	strace $0x80000048  }
0xb3: {  	_ =	swait.ge [sflag:s29], $0x1  }
0xb4: {  	[sflag:s29] =	ssyncadd.s32 $0xFFFFFFFF  }
0xb5: {  	_ =	strace $0x90000048  }
0xb6: {  	_ =	sfence  }
0xb7: {  	s30 =	sld [smem:$0x0];
	_ =	sdelay $0x2  }
0xb8: {  	s31 =	sshll.u32 s1, $0xD;
	s1 =	sshrl.u32 s1, $0x2  }
0xb9: {  	s3 =	sand.u32 $0x4000, s31;
	s1 =	sadd.s32 s1, s30  }
0xba: {  	s0 =	sor.u32 s3, s0;
	s1 =	sshll.u32 s1, $0x11  }
0xbb: {  	s0 =	sor.u32 s1, s0  }
0xbc: {  	s0 =	sadd.s32 $0x8F2B, s0  }
0xbd: {  	[sflag:s0] =	ssyncadd.remote.s32 $0x1  }
0xbe: {  	_ =	sfence.sel $0xFFFF  }
0xbf: {  	[dreg:$0x0] =	wrdreg $0xFFFFFFFF;
	(pc) =	sbr.abs _section_cstart, $3  }
0xc0: {  	[dreg:$0x1] =	wrdreg $0xFFFFFFFF  }
0xc1: {  	_ =	task.clear_ibuf [dreg:s7], $0x2FFFF;
	_ =	strace $0x9FFFFFFF  }
0xc2: {  	(tm) =	ssettm $0x7FFFFFFF  }
0xc3: {  	_ =	shalt  }
tec
execute0_lowered:
.L_overlay_start_1:
0x0: {  	(tag) =	ssettag $0x1  }
0x1: {  	s0 =	rddreg [dreg:$0x0]  }
0x2: {  	s1 =	rddreg [dreg:$0x1];
	s2 =	simm.s32 $0x0  }
0x3: {  	s4 =	stileid.u32;
	s3 =	srdreg.scid;
	s31 =	simm.s32 $0x280  }
0x4: {  	s12 =	simm.s32 $0x600;
	s13 =	simm.s32 $0x800;
	s14 =	simm.s32 $0x480  }
0x5: {  	s15 =	simm.s32 $0x680;
	s16 =	simm.s32 $0x880;
	s17 =	simm.s32 $0x100  }
0x6: {  	s18 =	simm.s32 $0x300;
	s19 =	simm.s32 $0x500;
	s20 =	simm.s32 $0x700  }
0x7: {  	s21 =	simm.s32 $0x900;
	s28 =	simm.s32 $0x1;
	s29 =	simm.s32 $0x0  }
0x8: {  	[smem:$0x7FF] =	sst s2;
	s7 =	sshll.u32 s4, $0xF;
	s8 =	sand.u32 $0x1, s3  }
0x9: {  	s3 =	sadd.s32 $0x2A00, s0;
	s4 =	sadd.s32 $0x103C00, s0;
	s5 =	sadd.s32 $0x207000, s0  }
0xa: {  	_ =	strace $0x80000047;
	s6 =	sadd.s32 s7, s0;
	s9 =	sshll.u32 s8, $0xE  }
0xb: {  	s22 =	ssub.s32 $0x2, s8;
	s1 =	sadd.s32 s7, s1;
	s8 =	simm.s32 $0x2  }
0xc: {  	[dreg:$0x8] =	wrdreg s31;
	s10 =	sadd.s32 s9, s6;
	s6 =	sadd.s32 $0x185E00, s0  }
0xd: {  	s11 =	sshrl.u32 s22, $0x1;
	s30 =	sadd.s32 s9, s1;
	s9 =	simm.s32 $0x80  }
0xe: {  	s23 =	sadd.s32 $0x488200, s10;
	s24 =	sadd.s32 $0x408200, s10;
	[dreg:$0x7] =	wrdreg s30  }
0xf: {  	s0 =	ssub.s32 s22, s11;
	s25 =	sadd.s32 $0x388200, s10;
	[dreg:$0x3] =	wrdreg s23  }
0x10: {  	s26 =	sadd.s32 $0x308200, s10;
	s10 =	simm.s32 $0x200;
	[dreg:$0x4] =	wrdreg s24  }
0x11: {  	s11 =	simm.s32 $0x400;
	s22 =	simm.s32 $0x180;
	[dreg:$0x5] =	wrdreg s25  }
0x12: {  	s7 =	smax.u32 s0, $0x1;
	[dreg:$0x6] =	wrdreg s26;
	s23 =	simm.s32 $0x380  }
0x13: {  	s24 =	simm.s32 $0x580;
	s25 =	simm.s32 $0x780;
	s26 =	simm.s32 $0x980  }
.LBB2_1:
0x14: {  	s0 =	rddreg [dreg:$0x7]  }
0x15: {  	s0 =	sadd.s32 $0x0, s0  }
0x16: {  	[tilespmem:s2], [sflag:$0x2] =	stream.linear.gather [hbm4b:s0+s2], $0x200, $0x38;
	[tilespmem:$0xA00] =	vst v63  }
0x17: {  	_ =	swait.ge [sflag:s8], $0x200  }
0x18: {  	[sflag:s8] =	ssyncset.done $0x0  }
0x19: {  	[sflag:s8] =	ssyncadd.s32 $0xFFFFFE00  }
0x1a: {  	[tilespmem:s10], [sflag:$0x1] =	stream.indirect.gather [hbm4b:s3+s9], $0x1, s2, s9, $0xb8;
	[tilespmem:$0xA00] =	vst v63  }
0x1b: {  	_ = 	snop  }
0x1c: {  	[tilespmem:s11], [sflag:$0x1] =	stream.indirect.gather [hbm4b:s4+s9], $0x1, s2, s9, $0xb8;
	[tilespmem:$0xA00] =	vst v63  }
0x1d: {  	_ = 	snop  }
0x1e: {  	[tilespmem:s12], [sflag:$0x1] =	stream.indirect.gather [hbm4b:s5+s9], $0x1, s2, s9, $0xb8;
	[tilespmem:$0xA00] =	vst v63  }
0x1f: {  	_ = 	snop  }
0x20: {  	[tilespmem:s13], [sflag:$0x1] =	stream.indirect.gather [hbm4b:s6+s9], $0x1, s2, s9, $0xb8;
	[tilespmem:$0xA00] =	vst v63  }
0x21: {  	s1 =	rddreg [dreg:$0x8]  }
0x22: {  	[tilespmem:s1], [sflag:$0x1] =	stream.indirect.gather [hbm4b:s3+s9], $0x1, s9, s9, $0xb8;
	[tilespmem:$0xA00] =	vst v63  }
0x23: {  	_ = 	snop  }
0x24: {  	[tilespmem:s14], [sflag:$0x1] =	stream.indirect.gather [hbm4b:s4+s9], $0x1, s9, s9, $0xb8;
	[tilespmem:$0xA00] =	vst v63  }
0x25: {  	_ = 	snop  }
0x26: {  	[tilespmem:s15], [sflag:$0x1] =	stream.indirect.gather [hbm4b:s5+s9], $0x1, s9, s9, $0xb8;
	[tilespmem:$0xA00] =	vst v63  }
0x27: {  	_ = 	snop  }
0x28: {  	[tilespmem:s16], [sflag:$0x1] =	stream.indirect.gather [hbm4b:s6+s9], $0x1, s9, s9, $0xb8;
	[tilespmem:$0xA00] =	vst v63  }
0x29: {  	_ = 	snop  }
0x2a: {  	[tilespmem:s18], [sflag:$0x1] =	stream.indirect.gather [hbm4b:s3+s9], $0x1, s17, s9, $0xb8;
	[tilespmem:$0xA00] =	vst v63  }
0x2b: {  	_ = 	snop  }
0x2c: {  	[tilespmem:s19], [sflag:$0x1] =	stream.indirect.gather [hbm4b:s4+s9], $0x1, s17, s9, $0xb8;
	[tilespmem:$0xA00] =	vst v63  }
0x2d: {  	_ = 	snop  }
0x2e: {  	[tilespmem:s20], [sflag:$0x1] =	stream.indirect.gather [hbm4b:s5+s9], $0x1, s17, s9, $0xb8;
	[tilespmem:$0xA00] =	vst v63  }
0x2f: {  	_ = 	snop  }
0x30: {  	[tilespmem:s21], [sflag:$0x1] =	stream.indirect.gather [hbm4b:s6+s9], $0x1, s17, s9, $0xb8;
	[tilespmem:$0xA00] =	vst v63  }
0x31: {  	_ = 	snop  }
0x32: {  	[tilespmem:s23], [sflag:$0x1] =	stream.indirect.gather [hbm4b:s3+s9], $0x1, s22, s9, $0xb8;
	[tilespmem:$0xA00] =	vst v63  }
0x33: {  	_ = 	snop  }
0x34: {  	[tilespmem:s24], [sflag:$0x1] =	stream.indirect.gather [hbm4b:s4+s9], $0x1, s22, s9, $0xb8;
	[tilespmem:$0xA00] =	vst v63  }
0x35: {  	_ = 	snop  }
0x36: {  	[tilespmem:s25], [sflag:$0x1] =	stream.indirect.gather [hbm4b:s5+s9], $0x1, s22, s9, $0xb8;
	[tilespmem:$0xA00] =	vst v63  }
0x37: {  	_ = 	snop  }
0x38: {  	[tilespmem:s26], [sflag:$0x1] =	stream.indirect.gather [hbm4b:s6+s9], $0x1, s22, s9, $0xb8;
	[tilespmem:$0xA00] =	vst v63  }
0x39: {  	_ =	swait.ge [sflag:s28], $0x80  }
0x3a: {  	[sflag:s28] =	ssyncset.done $0x0  }
0x3b: {  	[sflag:s28] =	ssyncadd.s32 $0xFFFFFF80  }
0x3c: {  	_ =	swait.ge [sflag:s28], $0x80  }
0x3d: {  	[sflag:s28] =	ssyncset.done $0x0  }
0x3e: {  	[sflag:s28] =	ssyncadd.s32 $0xFFFFFF80  }
0x3f: {  	_ =	swait.ge [sflag:s28], $0x80  }
0x40: {  	[sflag:s28] =	ssyncset.done $0x0  }
0x41: {  	[sflag:s28] =	ssyncadd.s32 $0xFFFFFF80  }
0x42: {  	_ =	swait.ge [sflag:s28], $0x80  }
0x43: {  	[sflag:s28] =	ssyncset.done $0x0  }
0x44: {  	[sflag:s28] =	ssyncadd.s32 $0xFFFFFF80  }
0x45: {  	_ =	swait.ge [sflag:s28], $0x80  }
0x46: {  	[sflag:s28] =	ssyncset.done $0x0  }
0x47: {  	[sflag:s28] =	ssyncadd.s32 $0xFFFFFF80  }
0x48: {  	_ =	swait.ge [sflag:s28], $0x80  }
0x49: {  	[sflag:s28] =	ssyncset.done $0x0  }
0x4a: {  	[sflag:s28] =	ssyncadd.s32 $0xFFFFFF80  }
0x4b: {  	_ =	swait.ge [sflag:s28], $0x80  }
0x4c: {  	[sflag:s28] =	ssyncset.done $0x0  }
0x4d: {  	[sflag:s28] =	ssyncadd.s32 $0xFFFFFF80  }
0x4e: {  	_ =	swait.ge [sflag:s28], $0x80  }
0x4f: {  	[sflag:s28] =	ssyncset.done $0x0  }
0x50: {  	[sflag:s28] =	ssyncadd.s32 $0xFFFFFF80  }
0x51: {  	_ =	swait.ge [sflag:s28], $0x80  }
0x52: {  	[sflag:s28] =	ssyncset.done $0x0  }
0x53: {  	[sflag:s28] =	ssyncadd.s32 $0xFFFFFF80  }
0x54: {  	_ =	swait.ge [sflag:s28], $0x80  }
0x55: {  	[sflag:s28] =	ssyncset.done $0x0  }
0x56: {  	[sflag:s28] =	ssyncadd.s32 $0xFFFFFF80  }
0x57: {  	_ =	swait.ge [sflag:s28], $0x80  }
0x58: {  	[sflag:s28] =	ssyncset.done $0x0  }
0x59: {  	[sflag:s28] =	ssyncadd.s32 $0xFFFFFF80  }
0x5a: {  	_ =	swait.ge [sflag:s28], $0x80  }
0x5b: {  	[sflag:s28] =	ssyncset.done $0x0  }
0x5c: {  	[sflag:s28] =	ssyncadd.s32 $0xFFFFFF80  }
0x5d: {  	_ =	swait.ge [sflag:s28], $0x80  }
0x5e: {  	[sflag:s28] =	ssyncset.done $0x0  }
0x5f: {  	[sflag:s28] =	ssyncadd.s32 $0xFFFFFF80  }
0x60: {  	_ =	swait.ge [sflag:s28], $0x80  }
0x61: {  	[sflag:s28] =	ssyncset.done $0x0  }
0x62: {  	[sflag:s28] =	ssyncadd.s32 $0xFFFFFF80  }
0x63: {  	_ =	swait.ge [sflag:s28], $0x80  }
0x64: {  	[sflag:s28] =	ssyncset.done $0x0  }
0x65: {  	[sflag:s28] =	ssyncadd.s32 $0xFFFFFF80  }
0x66: {  	_ =	swait.ge [sflag:s28], $0x80  }
0x67: {  	s1 =	rddreg [dreg:$0x6];
	[sflag:s28] =	ssyncset.done $0x0  }
0x68: {  	[sflag:s28] =	ssyncadd.s32 $0xFFFFFF80;
	s0 =	sadd.s32 $0x0, s1  }
0x69: {  	[hbm4b:s0+s2] =	stream.linear.scatter [tilespmem:s10], [sflag:$0x2], $0x200, $0x38;
	[tilespmem:$0xA00] =	vst v63  }
0x6a: {  	_ =	swait.ge [sflag:s8], $0x200  }
0x6b: {  	s1 =	rddreg [dreg:$0x5];
	[sflag:s8] =	ssyncset.done $0x0  }
0x6c: {  	[sflag:s8] =	ssyncadd.s32 $0xFFFFFE00;
	s0 =	sadd.s32 $0x0, s1  }
0x6d: {  	[hbm4b:s0+s2] =	stream.linear.scatter [tilespmem:s11], [sflag:$0x2], $0x200, $0x38;
	[tilespmem:$0xA00] =	vst v63  }
0x6e: {  	_ =	swait.ge [sflag:s8], $0x200  }
0x6f: {  	s1 =	rddreg [dreg:$0x4];
	[sflag:s8] =	ssyncset.done $0x0  }
0x70: {  	[sflag:s8] =	ssyncadd.s32 $0xFFFFFE00;
	s0 =	sadd.s32 $0x0, s1  }
0x71: {  	[hbm4b:s0+s2] =	stream.linear.scatter [tilespmem:s12], [sflag:$0x2], $0x200, $0x38;
	[tilespmem:$0xA00] =	vst v63  }
0x72: {  	_ =	swait.ge [sflag:s8], $0x200  }
0x73: {  	s1 =	rddreg [dreg:$0x3];
	[sflag:s8] =	ssyncset.done $0x0  }
0x74: {  	[sflag:s8] =	ssyncadd.s32 $0xFFFFFE00;
	s0 =	sadd.s32 $0x0, s1  }
0x75: {  	[hbm4b:s0+s2] =	stream.linear.scatter [tilespmem:s13], [sflag:$0x2], $0x200, $0x38;
	[tilespmem:$0xA00] =	vst v63  }
0x76: {  	s30 =	simm.s32 $0x40;
	_ =	swait.ge [sflag:s8], $0x200  }
0x77: {  	s31 =	simm.s32 $0x80;
	s1 =	rddreg [dreg:$0x7];
	[sflag:s8] =	ssyncset.done $0x0  }
.LBB2_2:
0x78: {  	[sflag:s8] =	ssyncadd.s32 $0xFFFFFE00;
	s1 =	sadd.s32 s30, s1  }
0x79: {  	[tilespmem:s2], [sflag:$0x2] =	stream.linear.gather [hbm4b:s1+s2], $0x200, $0x38;
	[tilespmem:$0xA00] =	vst v63  }
0x7a: {  	_ =	swait.ge [sflag:s8], $0x200  }
0x7b: {  	[sflag:s8] =	ssyncset.done $0x0  }
0x7c: {  	[sflag:s8] =	ssyncadd.s32 $0xFFFFFE00  }
0x7d: {  	[tilespmem:s10], [sflag:$0x1] =	stream.indirect.gather [hbm4b:s3+s9], $0x1, s2, s9, $0xb8;
	[tilespmem:$0xA00] =	vst v63  }
0x7e: {  	_ = 	snop  }
0x7f: {  	[tilespmem:s11], [sflag:$0x1] =	stream.indirect.gather [hbm4b:s4+s9], $0x1, s2, s9, $0xb8;
	[tilespmem:$0xA00] =	vst v63  }
0x80: {  	_ = 	snop  }
0x81: {  	[tilespmem:s12], [sflag:$0x1] =	stream.indirect.gather [hbm4b:s5+s9], $0x1, s2, s9, $0xb8;
	[tilespmem:$0xA00] =	vst v63  }
0x82: {  	_ = 	snop  }
0x83: {  	[tilespmem:s13], [sflag:$0x1] =	stream.indirect.gather [hbm4b:s6+s9], $0x1, s2, s9, $0xb8;
	[tilespmem:$0xA00] =	vst v63  }
0x84: {  	s1 =	rddreg [dreg:$0x8]  }
0x85: {  	[tilespmem:s1], [sflag:$0x1] =	stream.indirect.gather [hbm4b:s3+s9], $0x1, s9, s9, $0xb8;
	[tilespmem:$0xA00] =	vst v63  }
0x86: {  	_ = 	snop  }
0x87: {  	[tilespmem:s14], [sflag:$0x1] =	stream.indirect.gather [hbm4b:s4+s9], $0x1, s9, s9, $0xb8;
	[tilespmem:$0xA00] =	vst v63  }
0x88: {  	_ = 	snop  }
0x89: {  	[tilespmem:s15], [sflag:$0x1] =	stream.indirect.gather [hbm4b:s5+s9], $0x1, s9, s9, $0xb8;
	[tilespmem:$0xA00] =	vst v63  }
0x8a: {  	_ = 	snop  }
0x8b: {  	[tilespmem:s16], [sflag:$0x1] =	stream.indirect.gather [hbm4b:s6+s9], $0x1, s9, s9, $0xb8;
	[tilespmem:$0xA00] =	vst v63  }
0x8c: {  	_ = 	snop  }
0x8d: {  	[tilespmem:s18], [sflag:$0x1] =	stream.indirect.gather [hbm4b:s3+s9], $0x1, s17, s9, $0xb8;
	[tilespmem:$0xA00] =	vst v63  }
0x8e: {  	_ = 	snop  }
0x8f: {  	[tilespmem:s19], [sflag:$0x1] =	stream.indirect.gather [hbm4b:s4+s9], $0x1, s17, s9, $0xb8;
	[tilespmem:$0xA00] =	vst v63  }
0x90: {  	_ = 	snop  }
0x91: {  	[tilespmem:s20], [sflag:$0x1] =	stream.indirect.gather [hbm4b:s5+s9], $0x1, s17, s9, $0xb8;
	[tilespmem:$0xA00] =	vst v63  }
0x92: {  	_ = 	snop  }
0x93: {  	[tilespmem:s21], [sflag:$0x1] =	stream.indirect.gather [hbm4b:s6+s9], $0x1, s17, s9, $0xb8;
	[tilespmem:$0xA00] =	vst v63  }
0x94: {  	_ = 	snop  }
0x95: {  	[tilespmem:s23], [sflag:$0x1] =	stream.indirect.gather [hbm4b:s3+s9], $0x1, s22, s9, $0xb8;
	[tilespmem:$0xA00] =	vst v63  }
0x96: {  	_ = 	snop  }
0x97: {  	[tilespmem:s24], [sflag:$0x1] =	stream.indirect.gather [hbm4b:s4+s9], $0x1, s22, s9, $0xb8;
	[tilespmem:$0xA00] =	vst v63  }
0x98: {  	_ = 	snop  }
0x99: {  	[tilespmem:s25], [sflag:$0x1] =	stream.indirect.gather [hbm4b:s5+s9], $0x1, s22, s9, $0xb8;
	[tilespmem:$0xA00] =	vst v63  }
0x9a: {  	_ = 	snop  }
0x9b: {  	[tilespmem:s26], [sflag:$0x1] =	stream.indirect.gather [hbm4b:s6+s9], $0x1, s22, s9, $0xb8;
	[tilespmem:$0xA00] =	vst v63  }
0x9c: {  	_ =	swait.ge [sflag:s28], $0x80  }
0x9d: {  	[sflag:s28] =	ssyncset.done $0x0  }
0x9e: {  	[sflag:s28] =	ssyncadd.s32 $0xFFFFFF80  }
0x9f: {  	_ =	swait.ge [sflag:s28], $0x80  }
0xa0: {  	[sflag:s28] =	ssyncset.done $0x0  }
0xa1: {  	[sflag:s28] =	ssyncadd.s32 $0xFFFFFF80  }
0xa2: {  	_ =	swait.ge [sflag:s28], $0x80  }
0xa3: {  	[sflag:s28] =	ssyncset.done $0x0  }
0xa4: {  	[sflag:s28] =	ssyncadd.s32 $0xFFFFFF80  }
0xa5: {  	_ =	swait.ge [sflag:s28], $0x80  }
0xa6: {  	[sflag:s28] =	ssyncset.done $0x0  }
0xa7: {  	[sflag:s28] =	ssyncadd.s32 $0xFFFFFF80  }
0xa8: {  	_ =	swait.ge [sflag:s28], $0x80  }
0xa9: {  	[sflag:s28] =	ssyncset.done $0x0  }
0xaa: {  	[sflag:s28] =	ssyncadd.s32 $0xFFFFFF80  }
0xab: {  	_ =	swait.ge [sflag:s28], $0x80  }
0xac: {  	[sflag:s28] =	ssyncset.done $0x0  }
0xad: {  	[sflag:s28] =	ssyncadd.s32 $0xFFFFFF80  }
0xae: {  	_ =	swait.ge [sflag:s28], $0x80  }
0xaf: {  	[sflag:s28] =	ssyncset.done $0x0  }
0xb0: {  	[sflag:s28] =	ssyncadd.s32 $0xFFFFFF80  }
0xb1: {  	_ =	swait.ge [sflag:s28], $0x80  }
0xb2: {  	[sflag:s28] =	ssyncset.done $0x0  }
0xb3: {  	[sflag:s28] =	ssyncadd.s32 $0xFFFFFF80  }
0xb4: {  	_ =	swait.ge [sflag:s28], $0x80  }
0xb5: {  	[sflag:s28] =	ssyncset.done $0x0  }
0xb6: {  	[sflag:s28] =	ssyncadd.s32 $0xFFFFFF80  }
0xb7: {  	_ =	swait.ge [sflag:s28], $0x80  }
0xb8: {  	[sflag:s28] =	ssyncset.done $0x0  }
0xb9: {  	[sflag:s28] =	ssyncadd.s32 $0xFFFFFF80  }
0xba: {  	_ =	swait.ge [sflag:s28], $0x80  }
0xbb: {  	[sflag:s28] =	ssyncset.done $0x0  }
0xbc: {  	[sflag:s28] =	ssyncadd.s32 $0xFFFFFF80  }
0xbd: {  	_ =	swait.ge [sflag:s28], $0x80  }
0xbe: {  	[sflag:s28] =	ssyncset.done $0x0  }
0xbf: {  	[sflag:s28] =	ssyncadd.s32 $0xFFFFFF80  }
0xc0: {  	_ =	swait.ge [sflag:s28], $0x80  }
0xc1: {  	[sflag:s28] =	ssyncset.done $0x0  }
0xc2: {  	[sflag:s28] =	ssyncadd.s32 $0xFFFFFF80  }
0xc3: {  	_ =	swait.ge [sflag:s28], $0x80  }
0xc4: {  	[sflag:s28] =	ssyncset.done $0x0  }
0xc5: {  	[sflag:s28] =	ssyncadd.s32 $0xFFFFFF80  }
0xc6: {  	_ =	swait.ge [sflag:s28], $0x80  }
0xc7: {  	[sflag:s28] =	ssyncset.done $0x0  }
0xc8: {  	[sflag:s28] =	ssyncadd.s32 $0xFFFFFF80  }
0xc9: {  	_ =	swait.ge [sflag:s28], $0x80  }
0xca: {  	s1 =	rddreg [dreg:$0x6];
	[sflag:s28] =	ssyncset.done $0x0  }
0xcb: {  	[sflag:s28] =	ssyncadd.s32 $0xFFFFFF80;
	s1 =	sadd.s32 s30, s1  }
0xcc: {  	[hbm4b:s1+s2] =	stream.linear.scatter [tilespmem:s10], [sflag:$0x2], $0x200, $0x38;
	[tilespmem:$0xA00] =	vst v63  }
0xcd: {  	_ =	swait.ge [sflag:s8], $0x200  }
0xce: {  	s1 =	rddreg [dreg:$0x5];
	[sflag:s8] =	ssyncset.done $0x0  }
0xcf: {  	[sflag:s8] =	ssyncadd.s32 $0xFFFFFE00;
	s1 =	sadd.s32 s30, s1  }
0xd0: {  	[hbm4b:s1+s2] =	stream.linear.scatter [tilespmem:s11], [sflag:$0x2], $0x200, $0x38;
	[tilespmem:$0xA00] =	vst v63  }
0xd1: {  	_ =	swait.ge [sflag:s8], $0x200  }
0xd2: {  	s1 =	rddreg [dreg:$0x4];
	[sflag:s8] =	ssyncset.done $0x0  }
0xd3: {  	[sflag:s8] =	ssyncadd.s32 $0xFFFFFE00;
	s1 =	sadd.s32 s30, s1  }
0xd4: {  	[hbm4b:s1+s2] =	stream.linear.scatter [tilespmem:s12], [sflag:$0x2], $0x200, $0x38;
	[tilespmem:$0xA00] =	vst v63  }
0xd5: {  	p0 =	sne.s32 s31, $0x3FC0;
	_ =	swait.ge [sflag:s8], $0x200  }
.Ltmp0:
0xd6: {  	s1 =	rddreg [dreg:$0x3];
	[sflag:s8] =	ssyncset.done $0x0;
	(pc) =	sbr.rel @p0 .LBB2_2-.Ltmp0, $4  }
0xd7: {  	[sflag:s8] =	ssyncadd.s32 $0xFFFFFE00;
	s1 =	sadd.s32 s30, s1  }
0xd8: {  	[hbm4b:s1+s2] =	stream.linear.scatter [tilespmem:s13], [sflag:$0x2], $0x200, $0x38;
	[tilespmem:$0xA00] =	vst v63  }
0xd9: {  	s0 =	smov.u32 s31;
	s31 =	sadd.s32 $0x40, s31;
	_ =	swait.ge [sflag:s8], $0x200  }
0xda: {  	s30 =	smov.u32 s0;
	s1 =	rddreg [dreg:$0x7];
	[sflag:s8] =	ssyncset.done $0x0  }
0xdb: {  	[sflag:s8] =	ssyncadd.s32 $0xFFFFFE00;
	s0 =	sadd.s32 s30, s1  }
0xdc: {  	[tilespmem:s2], [sflag:$0x2] =	stream.linear.gather [hbm4b:s0+s2], $0x200, $0x38;
	[tilespmem:$0xA00] =	vst v63  }
0xdd: {  	_ =	swait.ge [sflag:s8], $0x200  }
0xde: {  	[sflag:s8] =	ssyncset.done $0x0  }
0xdf: {  	[sflag:s8] =	ssyncadd.s32 $0xFFFFFE00  }
0xe0: {  	[tilespmem:s10], [sflag:$0x1] =	stream.indirect.gather [hbm4b:s3+s9], $0x1, s2, s9, $0xb8;
	[tilespmem:$0xA00] =	vst v63  }
0xe1: {  	_ = 	snop  }
0xe2: {  	[tilespmem:s11], [sflag:$0x1] =	stream.indirect.gather [hbm4b:s4+s9], $0x1, s2, s9, $0xb8;
	[tilespmem:$0xA00] =	vst v63  }
0xe3: {  	_ = 	snop  }
0xe4: {  	[tilespmem:s12], [sflag:$0x1] =	stream.indirect.gather [hbm4b:s5+s9], $0x1, s2, s9, $0xb8;
	[tilespmem:$0xA00] =	vst v63  }
0xe5: {  	_ = 	snop  }
0xe6: {  	[tilespmem:s13], [sflag:$0x1] =	stream.indirect.gather [hbm4b:s6+s9], $0x1, s2, s9, $0xb8;
	[tilespmem:$0xA00] =	vst v63  }
0xe7: {  	s31 =	rddreg [dreg:$0x8]  }
0xe8: {  	[tilespmem:s31], [sflag:$0x1] =	stream.indirect.gather [hbm4b:s3+s9], $0x1, s9, s9, $0xb8;
	[tilespmem:$0xA00] =	vst v63  }
0xe9: {  	_ = 	snop  }
0xea: {  	[tilespmem:s14], [sflag:$0x1] =	stream.indirect.gather [hbm4b:s4+s9], $0x1, s9, s9, $0xb8;
	[tilespmem:$0xA00] =	vst v63  }
0xeb: {  	_ = 	snop  }
0xec: {  	[tilespmem:s15], [sflag:$0x1] =	stream.indirect.gather [hbm4b:s5+s9], $0x1, s9, s9, $0xb8;
	[tilespmem:$0xA00] =	vst v63  }
0xed: {  	_ = 	snop  }
0xee: {  	[tilespmem:s16], [sflag:$0x1] =	stream.indirect.gather [hbm4b:s6+s9], $0x1, s9, s9, $0xb8;
	[tilespmem:$0xA00] =	vst v63  }
0xef: {  	_ = 	snop  }
0xf0: {  	[tilespmem:s18], [sflag:$0x1] =	stream.indirect.gather [hbm4b:s3+s9], $0x1, s17, s9, $0xb8;
	[tilespmem:$0xA00] =	vst v63  }
0xf1: {  	_ = 	snop  }
0xf2: {  	[tilespmem:s19], [sflag:$0x1] =	stream.indirect.gather [hbm4b:s4+s9], $0x1, s17, s9, $0xb8;
	[tilespmem:$0xA00] =	vst v63  }
0xf3: {  	_ = 	snop  }
0xf4: {  	[tilespmem:s20], [sflag:$0x1] =	stream.indirect.gather [hbm4b:s5+s9], $0x1, s17, s9, $0xb8;
	[tilespmem:$0xA00] =	vst v63  }
0xf5: {  	_ = 	snop  }
0xf6: {  	[tilespmem:s21], [sflag:$0x1] =	stream.indirect.gather [hbm4b:s6+s9], $0x1, s17, s9, $0xb8;
	[tilespmem:$0xA00] =	vst v63  }
0xf7: {  	_ = 	snop  }
0xf8: {  	[tilespmem:s23], [sflag:$0x1] =	stream.indirect.gather [hbm4b:s3+s9], $0x1, s22, s9, $0xb8;
	[tilespmem:$0xA00] =	vst v63  }
0xf9: {  	_ = 	snop  }
0xfa: {  	[tilespmem:s24], [sflag:$0x1] =	stream.indirect.gather [hbm4b:s4+s9], $0x1, s22, s9, $0xb8;
	[tilespmem:$0xA00] =	vst v63  }
0xfb: {  	_ = 	snop  }
0xfc: {  	[tilespmem:s25], [sflag:$0x1] =	stream.indirect.gather [hbm4b:s5+s9], $0x1, s22, s9, $0xb8;
	[tilespmem:$0xA00] =	vst v63  }
0xfd: {  	_ = 	snop  }
0xfe: {  	[tilespmem:s26], [sflag:$0x1] =	stream.indirect.gather [hbm4b:s6+s9], $0x1, s22, s9, $0xb8;
	[tilespmem:$0xA00] =	vst v63  }
0xff: {  	_ =	swait.ge [sflag:s28], $0x80  }
0x100: {  	[sflag:s28] =	ssyncset.done $0x0  }
0x101: {  	[sflag:s28] =	ssyncadd.s32 $0xFFFFFF80  }
0x102: {  	_ =	swait.ge [sflag:s28], $0x80  }
0x103: {  	[sflag:s28] =	ssyncset.done $0x0  }
0x104: {  	[sflag:s28] =	ssyncadd.s32 $0xFFFFFF80  }
0x105: {  	_ =	swait.ge [sflag:s28], $0x80  }
0x106: {  	[sflag:s28] =	ssyncset.done $0x0  }
0x107: {  	[sflag:s28] =	ssyncadd.s32 $0xFFFFFF80  }
0x108: {  	_ =	swait.ge [sflag:s28], $0x80  }
0x109: {  	[sflag:s28] =	ssyncset.done $0x0  }
0x10a: {  	[sflag:s28] =	ssyncadd.s32 $0xFFFFFF80  }
0x10b: {  	_ =	swait.ge [sflag:s28], $0x80  }
0x10c: {  	[sflag:s28] =	ssyncset.done $0x0  }
0x10d: {  	[sflag:s28] =	ssyncadd.s32 $0xFFFFFF80  }
0x10e: {  	_ =	swait.ge [sflag:s28], $0x80  }
0x10f: {  	[sflag:s28] =	ssyncset.done $0x0  }
0x110: {  	[sflag:s28] =	ssyncadd.s32 $0xFFFFFF80  }
0x111: {  	_ =	swait.ge [sflag:s28], $0x80  }
0x112: {  	[sflag:s28] =	ssyncset.done $0x0  }
0x113: {  	[sflag:s28] =	ssyncadd.s32 $0xFFFFFF80  }
0x114: {  	_ =	swait.ge [sflag:s28], $0x80  }
0x115: {  	[sflag:s28] =	ssyncset.done $0x0  }
0x116: {  	[sflag:s28] =	ssyncadd.s32 $0xFFFFFF80  }
0x117: {  	_ =	swait.ge [sflag:s28], $0x80  }
0x118: {  	[sflag:s28] =	ssyncset.done $0x0  }
0x119: {  	[sflag:s28] =	ssyncadd.s32 $0xFFFFFF80  }
0x11a: {  	_ =	swait.ge [sflag:s28], $0x80  }
0x11b: {  	[sflag:s28] =	ssyncset.done $0x0  }
0x11c: {  	[sflag:s28] =	ssyncadd.s32 $0xFFFFFF80  }
0x11d: {  	_ =	swait.ge [sflag:s28], $0x80  }
0x11e: {  	[sflag:s28] =	ssyncset.done $0x0  }
0x11f: {  	[sflag:s28] =	ssyncadd.s32 $0xFFFFFF80  }
0x120: {  	_ =	swait.ge [sflag:s28], $0x80  }
0x121: {  	[sflag:s28] =	ssyncset.done $0x0  }
0x122: {  	[sflag:s28] =	ssyncadd.s32 $0xFFFFFF80  }
0x123: {  	_ =	swait.ge [sflag:s28], $0x80  }
0x124: {  	[sflag:s28] =	ssyncset.done $0x0  }
0x125: {  	[sflag:s28] =	ssyncadd.s32 $0xFFFFFF80  }
0x126: {  	_ =	swait.ge [sflag:s28], $0x80  }
0x127: {  	[sflag:s28] =	ssyncset.done $0x0  }
0x128: {  	[sflag:s28] =	ssyncadd.s32 $0xFFFFFF80  }
0x129: {  	_ =	swait.ge [sflag:s28], $0x80  }
0x12a: {  	[sflag:s28] =	ssyncset.done $0x0  }
0x12b: {  	[sflag:s28] =	ssyncadd.s32 $0xFFFFFF80  }
0x12c: {  	_ =	swait.ge [sflag:s28], $0x80  }
0x12d: {  	s1 =	rddreg [dreg:$0x6];
	[sflag:s28] =	ssyncset.done $0x0  }
0x12e: {  	[sflag:s28] =	ssyncadd.s32 $0xFFFFFF80;
	s0 =	sadd.s32 s30, s1  }
0x12f: {  	[hbm4b:s0+s2] =	stream.linear.scatter [tilespmem:s10], [sflag:$0x2], $0x200, $0x38;
	[tilespmem:$0xA00] =	vst v63  }
0x130: {  	_ =	swait.ge [sflag:s8], $0x200  }
0x131: {  	s31 =	rddreg [dreg:$0x5];
	[sflag:s8] =	ssyncset.done $0x0  }
0x132: {  	[sflag:s8] =	ssyncadd.s32 $0xFFFFFE00;
	s0 =	sadd.s32 s30, s31  }
0x133: {  	[hbm4b:s0+s2] =	stream.linear.scatter [tilespmem:s11], [sflag:$0x2], $0x200, $0x38;
	[tilespmem:$0xA00] =	vst v63  }
0x134: {  	_ =	swait.ge [sflag:s8], $0x200  }
0x135: {  	s1 =	rddreg [dreg:$0x4];
	[sflag:s8] =	ssyncset.done $0x0  }
0x136: {  	[sflag:s8] =	ssyncadd.s32 $0xFFFFFE00;
	s0 =	sadd.s32 s30, s1  }
0x137: {  	[hbm4b:s0+s2] =	stream.linear.scatter [tilespmem:s12], [sflag:$0x2], $0x200, $0x38;
	[tilespmem:$0xA00] =	vst v63  }
0x138: {  	s29 =	sadd.s32 $0x1, s29;
	_ =	swait.ge [sflag:s8], $0x200  }
0x139: {  	p0 =	sne.s32 s29, s7;
	s31 =	rddreg [dreg:$0x3];
	[sflag:s8] =	ssyncset.done $0x0  }
.Ltmp1:
0x13a: {  	s0 =	sadd.s32 s30, s31;
	[sflag:s8] =	ssyncadd.s32 $0xFFFFFE00;
	(pc) =	sbr.rel @p0 .LBB2_1-.Ltmp1, $4  }
0x13b: {  	[hbm4b:s0+s2] =	stream.linear.scatter [tilespmem:s13], [sflag:$0x2], $0x200, $0x38;
	[tilespmem:$0xA00] =	vst v63  }
0x13c: {  	_ =	swait.ge [sflag:s8], $0x200  }
0x13d: {  	[sflag:s8] =	ssyncset.done $0x0  }
0x13e: {  	[sflag:s8] =	ssyncadd.s32 $0xFFFFFE00  }
0x13f: {  	_ =	sfence.sel $0x180000  }
0x140: {  	[bflag:$0x0] =	sbarrier.arrive $0xFFFF  }
0x141: {  	_ =	strace $0x90000047  }
0x142: {  	s0 =	stileid.u32;
	[bflag:$0x2] =	sbarrier.arrive $0xFFFF  }
0x143: {  	p0 =	sne.s32 s0, $0x0;
	s0 =	rddreg [dreg:$0x2]  }
0x144: {  	s0 =	sadd.s32 @!p0 $0x100000, s0  }
0x145: {  	[sflag:s0] =	ssyncadd.tile.s32 @!p0 $0x1;
	_ =	shalt  }
.Lfunc_end2:
_tile_overlayer_lowered:
.L_overlay_start_2:
0x146: {  	(tag) =	ssettag $0x2  }
0x147: {  	s0 =	rddreg [dreg:$0x0];
	s2 =	stileid.u32  }
0x148: {  	s1 =	rddreg [dreg:$0x1];
	p0 =	sne.s32 s2, $0x0  }
0x149: {  	s3 =	rddreg [dreg:$0x2];
	[bflag:$0x3] =	sbarrier.arrive $0xFFFF;
	s2 =	simm.s32 @!p0 $0x1C02  }
0x14a: {  	[timem:s3], [sflag:s2] =	dma.local @!p0 [hbm:s0], s1  }
0x14b: {  	s0 =	simm.s32 @!p0 $0x2  }
0x14c: {  	_ =	swait.ge @!p0 [sflag:s0], s1  }
0x14d: {  	s1 =	ssub.s32 @!p0 $0x0, s1;
	[sflag:s0] =	ssyncset.done @!p0 $0x0  }
0x14e: {  	[sflag:s0] =	ssyncadd.s32 @!p0 s1  }
0x14f: {  	[bflag:$0x3] =	sbarrier.arrive $0xFFFF  }
0x150: {  	_ =	shalt  }

</sc_bundles>
